<compile_context>
chip_gen: v7x
topology: tpu7x:2x2x1
jax: 0.10.2.dev20260603
libtpu: 0.0.44.dev20260713+nightly
codegen_flags: <defaults>
</compile_context>

<pallas_src>
import functools

import jax
import jax.numpy as jnp
from jax import lax
from jax.experimental import pallas as pl
from jax.experimental.pallas import tpu as pltpu
from jax.experimental.pallas import tpu_sc as plsc

_S = 2048
_E = 16
_ROW_W = _S * _E
_VW = 4080
_C_SC = 14


def _sc_info():
    try:
        info = plsc.get_sparse_core_info()
        return info.num_cores, info.num_subcores
    except Exception:
        return 2, 16


@functools.cache
def _make_sc_kernel():
    nc, ns = _sc_info()
    mesh = plsc.VectorSubcoreMesh(core_axis_name="c", subcore_axis_name="s")

    @functools.partial(
        pl.kernel,
        mesh=mesh,
        out_type=jax.ShapeDtypeStruct((256, _E, _S), jnp.float32),
        scratch_types=[
            pltpu.VMEM((17, _VW), jnp.float32),
            pltpu.SemaphoreType.DMA,
        ],
        compiler_params=pltpu.CompilerParams(use_tc_tiling_on_sc=False),
    )
    def k(table_hbm, out_hbm, v3, sem):
        wid = lax.axis_index("s") * nc + lax.axis_index("c")
        min_i = 1792 + 8 * wid

        stage = [
            pltpu.make_async_copy(
                table_hbm.at[pl.ds(2048 * r, _VW)], v3.at[r, pl.ds(0, _VW)], sem
            )
            for r in range(15)
        ]
        stage.append(
            pltpu.make_async_copy(
                table_hbm.at[pl.ds(2048 * 15, 2048)], v3.at[15, pl.ds(0, 2048)], sem
            )
        )
        for cp in stage:
            cp.start()
        for cp in stage:
            cp.wait()

        last = v3[15, pl.ds(2032, _E)]

        def _fill(r, n0, count):
            def body(t, carry):
                v3[r, pl.ds(n0 + t * _E, _E)] = last
                return carry
            lax.fori_loop(0, count, body, 0)

        _fill(15, 2048, 127)
        _fill(16, 0, 255)

        copies = []
        for r in range(8):
            i = min_i + r
            off = (_S - 1 - i) * _E
            R = off >> 11
            C = pl.multiple_of(off & 2047, _E)
            copies.append(
                pltpu.make_async_copy(
                    v3.at[pl.ds(R, 16), pl.ds(C, 2048)],
                    out_hbm.at[i - 1792],
                    sem,
                )
            )
        for cp in copies:
            cp.start()
        for cp in copies:
            cp.wait()

    return k


def _build_v3b(table):
    V = jnp.concatenate(
        [table.reshape(-1), jnp.tile(table[-1], _S - 1), jnp.zeros((16,), jnp.float32)]
    )
    rows = [
        lax.dynamic_slice(V, (2048 * (q // 8 + q % 8),), (4096,))
        for q in range(8 * 24)
    ]
    return jnp.stack(rows)


def _tc_body(v3b_ref, sc_ref, out_ref):
    c = pl.program_id(0)
    pc = pl.program_id(1)

    @pl.when(c < _C_SC)
    def _():
        for g in range(16):
            i = 128 * c + 8 * pc + (g >> 1)
            K = (_S - 1 - i) * _E + (g & 1) * 16384
            Q = (K >> 11) * 8
            C = K & 2047
            slab = v3b_ref[pl.ds(pl.multiple_of(Q, 8), 8), :]
            rolled = pltpu.roll(slab, -C, axis=1)
            out_ref[0, 0, pl.ds(8 * g, 8), :] = rolled[:, :2048]

    @pl.when(c >= _C_SC)
    def _():
        for k in range(8):
            out_ref[0, 0, pl.ds(16 * k, 16), :] = sc_ref[k]


@functools.cache
def _make_tc_kernel():
    return pl.pallas_call(
        _tc_body,
        grid=(16, 16),
        in_specs=[
            pl.BlockSpec((8 * 24, 4096), lambda c, p: (0, 0)),
            pl.BlockSpec(
                (8, _E, _S),
                lambda c, p: (jnp.where(c >= _C_SC, (c - _C_SC) * 16 + p, 0), 0, 0),
            ),
        ],
        out_specs=pl.BlockSpec((1, 1, 128, 2048), lambda c, p: (0, c, p, 0)),
        out_shape=jax.ShapeDtypeStruct((1, _E, _S, _S), jnp.float32),
    )


def kernel(batch_size, seq_len, table):
    sc_part = _make_sc_kernel()(table.reshape(-1))
    return _make_tc_kernel()(_build_v3b(table), sc_part)

# --- scband reference (transcript-rebuilt; emitter-appended) ---
"""Pipeline reference for scband-relative-positional-encoding-23235773071633 (READ-ONLY COPY).

The authoritative reference and input builder live on the scoring server;
editing this copy changes nothing except your own understanding.
"""

import jax, jax.numpy as jnp
import numpy as np

MAX_POSITION = 2048
EMBED_DIM = 16

def setup_inputs(seed: int = 0) -> dict:
    key = jax.random.key(seed)
    table = jax.random.normal(key, (MAX_POSITION, EMBED_DIM), dtype=jnp.float32)
    return {"batch_size": 1, "seq_len": 2048, "table": table}

def reference(batch_size, seq_len, table):
    # Build the relative-position difference matrix (buffer in the torch module)
    x_vals = jnp.arange(MAX_POSITION)
    diff_mat = x_vals[None, :] - x_vals[:, None]
    diff_tensor = jnp.clip(diff_mat + MAX_POSITION - 1, 0, MAX_POSITION - 1)
    # Slice to seq_len and repeat over batch
    S = table.shape[0]
    B = 1
    d = diff_tensor[:S, :S]
    d = jnp.tile(d[None, :, :], (B, 1, 1))  # [B, S, S]
    # Embedding lookup (gather): [B, S, S, E]
    emb = jnp.take(table, d, axis=0)
    # torch .view(batch_size, -1, seq_len, seq_len) is a raw reshape of contiguous data
    out = jnp.reshape(emb, (B, -1, S, S))
    zero = (batch_size - batch_size) + (seq_len - seq_len)
    return out + jnp.asarray(zero).astype(out.dtype)

if __name__ == "__main__":
    import jax
    _d = setup_inputs()
    print(jax.jit(kernel)(*tuple(_d.values())))

</pallas_src>

<mosaic_0001>
#map = affine_map<(d0, d1) -> (0)>
#map1 = affine_map<(d0, d1) -> (0, 0, 0)>
module attributes {stable_mosaic.version = 14 : i64} {
  func.func @k(%arg0: i32, %arg1: i32, %arg2: memref<32768xf32, #tpu.memory_space<hbm>>, %arg3: memref<256x16x2048xf32, #tpu.memory_space<hbm>>, %arg4: memref<17x4080xf32, #tpu.memory_space<vmem>>, %arg5: memref<!tpu.dma_semaphore, #tpu.memory_space<semaphore_mem>>) attributes {dimension_semantics = [#tpu.dimension_semantics<core_parallel>, #tpu.dimension_semantics<subcore_parallel>], iteration_bounds = array<i64: 2, 16>, scalar_prefetch = 0 : i64, scratch_operands = 2 : i64, tpu.core_type = #tpu.core_type<sc_vector_subcore>, window_params = [{transform_indices = #map}, {transform_indices = #map1}]} {
    %mul3A = arith.constant 2 : i32
    %mul3A_0 = arith.muli %arg1, %mul3A : i32
    %add3A = arith.addi %mul3A_0, %arg0 : i32
    %mul3A_1 = arith.constant 8 : i32
    %mul3A_2 = arith.muli %mul3A_1, %add3A : i32
    %add3A_3 = arith.constant 1792 : i32
    %add3A_4 = arith.addi %add3A_3, %mul3A_2 : i32
    %dma_start3A = arith.constant 0 : i32
    %dma_start3A_5 = arith.constant 0 : i32
    %dma_start3A_6 = tpu.memref_slice %arg4[%dma_start3A, %dma_start3A_5] : memref<17x4080xf32, #tpu.memory_space<vmem>> -> memref<1x4080xf32, #tpu.memory_space<vmem>>
    %dma_start3A_7 = tpu.memref_squeeze %dma_start3A_6 : memref<1x4080xf32, #tpu.memory_space<vmem>> -> memref<4080xf32, #tpu.memory_space<vmem>>
    %dma_start3A_8 = arith.constant 0 : i32
    %dma_start3A_9 = tpu.memref_slice %arg2[%dma_start3A_8] : memref<32768xf32, #tpu.memory_space<hbm>> -> memref<4080xf32, #tpu.memory_space<hbm>>
    %dma_start3A_10 = arith.constant 0 : i32
    %dma_start3A_11 = tpu.memref_slice %arg4[%dma_start3A, %dma_start3A_10] : memref<17x4080xf32, #tpu.memory_space<vmem>> -> memref<1x4080xf32, #tpu.memory_space<vmem>>
    %dma_start3A_12 = tpu.memref_squeeze %dma_start3A_11 : memref<1x4080xf32, #tpu.memory_space<vmem>> -> memref<4080xf32, #tpu.memory_space<vmem>>
    %dma_start3A_13 = arith.constant 0 : i32
    %dma_start3A_14 = tpu.memref_slice %arg2[%dma_start3A_13] : memref<32768xf32, #tpu.memory_space<hbm>> -> memref<4080xf32, #tpu.memory_space<hbm>>
    tpu.enqueue_dma source(%dma_start3A_14 : memref<4080xf32, #tpu.memory_space<hbm>>) target(%dma_start3A_12 : memref<4080xf32, #tpu.memory_space<vmem>>) target_semaphore(%arg5 : memref<!tpu.dma_semaphore, #tpu.memory_space<semaphore_mem>>)
    %dma_start3A_15 = arith.constant 1 : i32
    %dma_start3A_16 = arith.constant 0 : i32
    %dma_start3A_17 = tpu.memref_slice %arg4[%dma_start3A_15, %dma_start3A_16] : memref<17x4080xf32, #tpu.memory_space<vmem>> -> memref<1x4080xf32, #tpu.memory_space<vmem>>
    %dma_start3A_18 = tpu.memref_squeeze %dma_start3A_17 : memref<1x4080xf32, #tpu.memory_space<vmem>> -> memref<4080xf32, #tpu.memory_space<vmem>>
    %dma_start3A_19 = arith.constant 2048 : i32
    %dma_start3A_20 = tpu.memref_slice %arg2[%dma_start3A_19] : memref<32768xf32, #tpu.memory_space<hbm>> -> memref<4080xf32, #tpu.memory_space<hbm>>
    %dma_start3A_21 = arith.constant 0 : i32
    %dma_start3A_22 = tpu.memref_slice %arg4[%dma_start3A_15, %dma_start3A_21] : memref<17x4080xf32, #tpu.memory_space<vmem>> -> memref<1x4080xf32, #tpu.memory_space<vmem>>
    %dma_start3A_23 = tpu.memref_squeeze %dma_start3A_22 : memref<1x4080xf32, #tpu.memory_space<vmem>> -> memref<4080xf32, #tpu.memory_space<vmem>>
    %dma_start3A_24 = arith.constant 2048 : i32
    %dma_start3A_25 = tpu.memref_slice %arg2[%dma_start3A_24] : memref<32768xf32, #tpu.memory_space<hbm>> -> memref<4080xf32, #tpu.memory_space<hbm>>
    tpu.enqueue_dma source(%dma_start3A_25 : memref<4080xf32, #tpu.memory_space<hbm>>) target(%dma_start3A_23 : memref<4080xf32, #tpu.memory_space<vmem>>) target_semaphore(%arg5 : memref<!tpu.dma_semaphore, #tpu.memory_space<semaphore_mem>>)
    %dma_start3A_26 = arith.constant 2 : i32
    %dma_start3A_27 = arith.constant 0 : i32
    %dma_start3A_28 = tpu.memref_slice %arg4[%dma_start3A_26, %dma_start3A_27] : memref<17x4080xf32, #tpu.memory_space<vmem>> -> memref<1x4080xf32, #tpu.memory_space<vmem>>
    %dma_start3A_29 = tpu.memref_squeeze %dma_start3A_28 : memref<1x4080xf32, #tpu.memory_space<vmem>> -> memref<4080xf32, #tpu.memory_space<vmem>>
    %dma_start3A_30 = arith.constant 4096 : i32
    %dma_start3A_31 = tpu.memref_slice %arg2[%dma_start3A_30] : memref<32768xf32, #tpu.memory_space<hbm>> -> memref<4080xf32, #tpu.memory_space<hbm>>
    %dma_start3A_32 = arith.constant 0 : i32
    %dma_start3A_33 = tpu.memref_slice %arg4[%dma_start3A_26, %dma_start3A_32] : memref<17x4080xf32, #tpu.memory_space<vmem>> -> memref<1x4080xf32, #tpu.memory_space<vmem>>
    %dma_start3A_34 = tpu.memref_squeeze %dma_start3A_33 : memref<1x4080xf32, #tpu.memory_space<vmem>> -> memref<4080xf32, #tpu.memory_space<vmem>>
    %dma_start3A_35 = arith.constant 4096 : i32
    %dma_start3A_36 = tpu.memref_slice %arg2[%dma_start3A_35] : memref<32768xf32, #tpu.memory_space<hbm>> -> memref<4080xf32, #tpu.memory_space<hbm>>
    tpu.enqueue_dma source(%dma_start3A_36 : memref<4080xf32, #tpu.memory_space<hbm>>) target(%dma_start3A_34 : memref<4080xf32, #tpu.memory_space<vmem>>) target_semaphore(%arg5 : memref<!tpu.dma_semaphore, #tpu.memory_space<semaphore_mem>>)
    %dma_start3A_37 = arith.constant 3 : i32
    %dma_start3A_38 = arith.constant 0 : i32
    %dma_start3A_39 = tpu.memref_slice %arg4[%dma_start3A_37, %dma_start3A_38] : memref<17x4080xf32, #tpu.memory_space<vmem>> -> memref<1x4080xf32, #tpu.memory_space<vmem>>
    %dma_start3A_40 = tpu.memref_squeeze %dma_start3A_39 : memref<1x4080xf32, #tpu.memory_space<vmem>> -> memref<4080xf32, #tpu.memory_space<vmem>>
    %dma_start3A_41 = arith.constant 6144 : i32
    %dma_start3A_42 = tpu.memref_slice %arg2[%dma_start3A_41] : memref<32768xf32, #tpu.memory_space<hbm>> -> memref<4080xf32, #tpu.memory_space<hbm>>
    %dma_start3A_43 = arith.constant 0 : i32
    %dma_start3A_44 = tpu.memref_slice %arg4[%dma_start3A_37, %dma_start3A_43] : memref<17x4080xf32, #tpu.memory_space<vmem>> -> memref<1x4080xf32, #tpu.memory_space<vmem>>
    %dma_start3A_45 = tpu.memref_squeeze %dma_start3A_44 : memref<1x4080xf32, #tpu.memory_space<vmem>> -> memref<4080xf32, #tpu.memory_space<vmem>>
    %dma_start3A_46 = arith.constant 6144 : i32
    %dma_start3A_47 = tpu.memref_slice %arg2[%dma_start3A_46] : memref<32768xf32, #tpu.memory_space<hbm>> -> memref<4080xf32, #tpu.memory_space<hbm>>
    tpu.enqueue_dma source(%dma_start3A_47 : memref<4080xf32, #tpu.memory_space<hbm>>) target(%dma_start3A_45 : memref<4080xf32, #tpu.memory_space<vmem>>) target_semaphore(%arg5 : memref<!tpu.dma_semaphore, #tpu.memory_space<semaphore_mem>>)
    %dma_start3A_48 = arith.constant 4 : i32
    %dma_start3A_49 = arith.constant 0 : i32
    %dma_start3A_50 = tpu.memref_slice %arg4[%dma_start3A_48, %dma_start3A_49] : memref<17x4080xf32, #tpu.memory_space<vmem>> -> memref<1x4080xf32, #tpu.memory_space<vmem>>
    %dma_start3A_51 = tpu.memref_squeeze %dma_start3A_50 : memref<1x4080xf32, #tpu.memory_space<vmem>> -> memref<4080xf32, #tpu.memory_space<vmem>>
    %dma_start3A_52 = arith.constant 8192 : i32
    %dma_start3A_53 = tpu.memref_slice %arg2[%dma_start3A_52] : memref<32768xf32, #tpu.memory_space<hbm>> -> memref<4080xf32, #tpu.memory_space<hbm>>
    %dma_start3A_54 = arith.constant 0 : i32
    %dma_start3A_55 = tpu.memref_slice %arg4[%dma_start3A_48, %dma_start3A_54] : memref<17x4080xf32, #tpu.memory_space<vmem>> -> memref<1x4080xf32, #tpu.memory_space<vmem>>
    %dma_start3A_56 = tpu.memref_squeeze %dma_start3A_55 : memref<1x4080xf32, #tpu.memory_space<vmem>> -> memref<4080xf32, #tpu.memory_space<vmem>>
    %dma_start3A_57 = arith.constant 8192 : i32
    %dma_start3A_58 = tpu.memref_slice %arg2[%dma_start3A_57] : memref<32768xf32, #tpu.memory_space<hbm>> -> memref<4080xf32, #tpu.memory_space<hbm>>
    tpu.enqueue_dma source(%dma_start3A_58 : memref<4080xf32, #tpu.memory_space<hbm>>) target(%dma_start3A_56 : memref<4080xf32, #tpu.memory_space<vmem>>) target_semaphore(%arg5 : memref<!tpu.dma_semaphore, #tpu.memory_space<semaphore_mem>>)
    %dma_start3A_59 = arith.constant 5 : i32
    %dma_start3A_60 = arith.constant 0 : i32
    %dma_start3A_61 = tpu.memref_slice %arg4[%dma_start3A_59, %dma_start3A_60] : memref<17x4080xf32, #tpu.memory_space<vmem>> -> memref<1x4080xf32, #tpu.memory_space<vmem>>
    %dma_start3A_62 = tpu.memref_squeeze %dma_start3A_61 : memref<1x4080xf32, #tpu.memory_space<vmem>> -> memref<4080xf32, #tpu.memory_space<vmem>>
    %dma_start3A_63 = arith.constant 10240 : i32
    %dma_start3A_64 = tpu.memref_slice %arg2[%dma_start3A_63] : memref<32768xf32, #tpu.memory_space<hbm>> -> memref<4080xf32, #tpu.memory_space<hbm>>
    %dma_start3A_65 = arith.constant 0 : i32
    %dma_start3A_66 = tpu.memref_slice %arg4[%dma_start3A_59, %dma_start3A_65] : memref<17x4080xf32, #tpu.memory_space<vmem>> -> memref<1x4080xf32, #tpu.memory_space<vmem>>
    %dma_start3A_67 = tpu.memref_squeeze %dma_start3A_66 : memref<1x4080xf32, #tpu.memory_space<vmem>> -> memref<4080xf32, #tpu.memory_space<vmem>>
    %dma_start3A_68 = arith.constant 10240 : i32
    %dma_start3A_69 = tpu.memref_slice %arg2[%dma_start3A_68] : memref<32768xf32, #tpu.memory_space<hbm>> -> memref<4080xf32, #tpu.memory_space<hbm>>
    tpu.enqueue_dma source(%dma_start3A_69 : memref<4080xf32, #tpu.memory_space<hbm>>) target(%dma_start3A_67 : memref<4080xf32, #tpu.memory_space<vmem>>) target_semaphore(%arg5 : memref<!tpu.dma_semaphore, #tpu.memory_space<semaphore_mem>>)
    %dma_start3A_70 = arith.constant 6 : i32
    %dma_start3A_71 = arith.constant 0 : i32
    %dma_start3A_72 = tpu.memref_slice %arg4[%dma_start3A_70, %dma_start3A_71] : memref<17x4080xf32, #tpu.memory_space<vmem>> -> memref<1x4080xf32, #tpu.memory_space<vmem>>
    %dma_start3A_73 = tpu.memref_squeeze %dma_start3A_72 : memref<1x4080xf32, #tpu.memory_space<vmem>> -> memref<4080xf32, #tpu.memory_space<vmem>>
    %dma_start3A_74 = arith.constant 12288 : i32
    %dma_start3A_75 = tpu.memref_slice %arg2[%dma_start3A_74] : memref<32768xf32, #tpu.memory_space<hbm>> -> memref<4080xf32, #tpu.memory_space<hbm>>
    %dma_start3A_76 = arith.constant 0 : i32
    %dma_start3A_77 = tpu.memref_slice %arg4[%dma_start3A_70, %dma_start3A_76] : memref<17x4080xf32, #tpu.memory_space<vmem>> -> memref<1x4080xf32, #tpu.memory_space<vmem>>
    %dma_start3A_78 = tpu.memref_squeeze %dma_start3A_77 : memref<1x4080xf32, #tpu.memory_space<vmem>> -> memref<4080xf32, #tpu.memory_space<vmem>>
    %dma_start3A_79 = arith.constant 12288 : i32
    %dma_start3A_80 = tpu.memref_slice %arg2[%dma_start3A_79] : memref<32768xf32, #tpu.memory_space<hbm>> -> memref<4080xf32, #tpu.memory_space<hbm>>
    tpu.enqueue_dma source(%dma_start3A_80 : memref<4080xf32, #tpu.memory_space<hbm>>) target(%dma_start3A_78 : memref<4080xf32, #tpu.memory_space<vmem>>) target_semaphore(%arg5 : memref<!tpu.dma_semaphore, #tpu.memory_space<semaphore_mem>>)
    %dma_start3A_81 = arith.constant 7 : i32
    %dma_start3A_82 = arith.constant 0 : i32
    %dma_start3A_83 = tpu.memref_slice %arg4[%dma_start3A_81, %dma_start3A_82] : memref<17x4080xf32, #tpu.memory_space<vmem>> -> memref<1x4080xf32, #tpu.memory_space<vmem>>
    %dma_start3A_84 = tpu.memref_squeeze %dma_start3A_83 : memref<1x4080xf32, #tpu.memory_space<vmem>> -> memref<4080xf32, #tpu.memory_space<vmem>>
    %dma_start3A_85 = arith.constant 14336 : i32
    %dma_start3A_86 = tpu.memref_slice %arg2[%dma_start3A_85] : memref<32768xf32, #tpu.memory_space<hbm>> -> memref<4080xf32, #tpu.memory_space<hbm>>
    %dma_start3A_87 = arith.constant 0 : i32
    %dma_start3A_88 = tpu.memref_slice %arg4[%dma_start3A_81, %dma_start3A_87] : memref<17x4080xf32, #tpu.memory_space<vmem>> -> memref<1x4080xf32, #tpu.memory_space<vmem>>
    %dma_start3A_89 = tpu.memref_squeeze %dma_start3A_88 : memref<1x4080xf32, #tpu.memory_space<vmem>> -> memref<4080xf32, #tpu.memory_space<vmem>>
    %dma_start3A_90 = arith.constant 14336 : i32
    %dma_start3A_91 = tpu.memref_slice %arg2[%dma_start3A_90] : memref<32768xf32, #tpu.memory_space<hbm>> -> memref<4080xf32, #tpu.memory_space<hbm>>
    tpu.enqueue_dma source(%dma_start3A_91 : memref<4080xf32, #tpu.memory_space<hbm>>) target(%dma_start3A_89 : memref<4080xf32, #tpu.memory_space<vmem>>) target_semaphore(%arg5 : memref<!tpu.dma_semaphore, #tpu.memory_space<semaphore_mem>>)
    %dma_start3A_92 = arith.constant 8 : i32
    %dma_start3A_93 = arith.constant 0 : i32
    %dma_start3A_94 = tpu.memref_slice %arg4[%dma_start3A_92, %dma_start3A_93] : memref<17x4080xf32, #tpu.memory_space<vmem>> -> memref<1x4080xf32, #tpu.memory_space<vmem>>
    %dma_start3A_95 = tpu.memref_squeeze %dma_start3A_94 : memref<1x4080xf32, #tpu.memory_space<vmem>> -> memref<4080xf32, #tpu.memory_space<vmem>>
    %dma_start3A_96 = arith.constant 16384 : i32
    %dma_start3A_97 = tpu.memref_slice %arg2[%dma_start3A_96] : memref<32768xf32, #tpu.memory_space<hbm>> -> memref<4080xf32, #tpu.memory_space<hbm>>
    %dma_start3A_98 = arith.constant 0 : i32
    %dma_start3A_99 = tpu.memref_slice %arg4[%dma_start3A_92, %dma_start3A_98] : memref<17x4080xf32, #tpu.memory_space<vmem>> -> memref<1x4080xf32, #tpu.memory_space<vmem>>
    %dma_start3A_100 = tpu.memref_squeeze %dma_start3A_99 : memref<1x4080xf32, #tpu.memory_space<vmem>> -> memref<4080xf32, #tpu.memory_space<vmem>>
    %dma_start3A_101 = arith.constant 16384 : i32
    %dma_start3A_102 = tpu.memref_slice %arg2[%dma_start3A_101] : memref<32768xf32, #tpu.memory_space<hbm>> -> memref<4080xf32, #tpu.memory_space<hbm>>
    tpu.enqueue_dma source(%dma_start3A_102 : memref<4080xf32, #tpu.memory_space<hbm>>) target(%dma_start3A_100 : memref<4080xf32, #tpu.memory_space<vmem>>) target_semaphore(%arg5 : memref<!tpu.dma_semaphore, #tpu.memory_space<semaphore_mem>>)
    %dma_start3A_103 = arith.constant 9 : i32
    %dma_start3A_104 = arith.constant 0 : i32
    %dma_start3A_105 = tpu.memref_slice %arg4[%dma_start3A_103, %dma_start3A_104] : memref<17x4080xf32, #tpu.memory_space<vmem>> -> memref<1x4080xf32, #tpu.memory_space<vmem>>
    %dma_start3A_106 = tpu.memref_squeeze %dma_start3A_105 : memref<1x4080xf32, #tpu.memory_space<vmem>> -> memref<4080xf32, #tpu.memory_space<vmem>>
    %dma_start3A_107 = arith.constant 18432 : i32
    %dma_start3A_108 = tpu.memref_slice %arg2[%dma_start3A_107] : memref<32768xf32, #tpu.memory_space<hbm>> -> memref<4080xf32, #tpu.memory_space<hbm>>
    %dma_start3A_109 = arith.constant 0 : i32
    %dma_start3A_110 = tpu.memref_slice %arg4[%dma_start3A_103, %dma_start3A_109] : memref<17x4080xf32, #tpu.memory_space<vmem>> -> memref<1x4080xf32, #tpu.memory_space<vmem>>
    %dma_start3A_111 = tpu.memref_squeeze %dma_start3A_110 : memref<1x4080xf32, #tpu.memory_space<vmem>> -> memref<4080xf32, #tpu.memory_space<vmem>>
    %dma_start3A_112 = arith.constant 18432 : i32
    %dma_start3A_113 = tpu.memref_slice %arg2[%dma_start3A_112] : memref<32768xf32, #tpu.memory_space<hbm>> -> memref<4080xf32, #tpu.memory_space<hbm>>
    tpu.enqueue_dma source(%dma_start3A_113 : memref<4080xf32, #tpu.memory_space<hbm>>) target(%dma_start3A_111 : memref<4080xf32, #tpu.memory_space<vmem>>) target_semaphore(%arg5 : memref<!tpu.dma_semaphore, #tpu.memory_space<semaphore_mem>>)
    %dma_start3A_114 = arith.constant 10 : i32
    %dma_start3A_115 = arith.constant 0 : i32
    %dma_start3A_116 = tpu.memref_slice %arg4[%dma_start3A_114, %dma_start3A_115] : memref<17x4080xf32, #tpu.memory_space<vmem>> -> memref<1x4080xf32, #tpu.memory_space<vmem>>
    %dma_start3A_117 = tpu.memref_squeeze %dma_start3A_116 : memref<1x4080xf32, #tpu.memory_space<vmem>> -> memref<4080xf32, #tpu.memory_space<vmem>>
    %dma_start3A_118 = arith.constant 20480 : i32
    %dma_start3A_119 = tpu.memref_slice %arg2[%dma_start3A_118] : memref<32768xf32, #tpu.memory_space<hbm>> -> memref<4080xf32, #tpu.memory_space<hbm>>
    %dma_start3A_120 = arith.constant 0 : i32
    %dma_start3A_121 = tpu.memref_slice %arg4[%dma_start3A_114, %dma_start3A_120] : memref<17x4080xf32, #tpu.memory_space<vmem>> -> memref<1x4080xf32, #tpu.memory_space<vmem>>
    %dma_start3A_122 = tpu.memref_squeeze %dma_start3A_121 : memref<1x4080xf32, #tpu.memory_space<vmem>> -> memref<4080xf32, #tpu.memory_space<vmem>>
    %dma_start3A_123 = arith.constant 20480 : i32
    %dma_start3A_124 = tpu.memref_slice %arg2[%dma_start3A_123] : memref<32768xf32, #tpu.memory_space<hbm>> -> memref<4080xf32, #tpu.memory_space<hbm>>
    tpu.enqueue_dma source(%dma_start3A_124 : memref<4080xf32, #tpu.memory_space<hbm>>) target(%dma_start3A_122 : memref<4080xf32, #tpu.memory_space<vmem>>) target_semaphore(%arg5 : memref<!tpu.dma_semaphore, #tpu.memory_space<semaphore_mem>>)
    %dma_start3A_125 = arith.constant 11 : i32
    %dma_start3A_126 = arith.constant 0 : i32
    %dma_start3A_127 = tpu.memref_slice %arg4[%dma_start3A_125, %dma_start3A_126] : memref<17x4080xf32, #tpu.memory_space<vmem>> -> memref<1x4080xf32, #tpu.memory_space<vmem>>
    %dma_start3A_128 = tpu.memref_squeeze %dma_start3A_127 : memref<1x4080xf32, #tpu.memory_space<vmem>> -> memref<4080xf32, #tpu.memory_space<vmem>>
    %dma_start3A_129 = arith.constant 22528 : i32
    %dma_start3A_130 = tpu.memref_slice %arg2[%dma_start3A_129] : memref<32768xf32, #tpu.memory_space<hbm>> -> memref<4080xf32, #tpu.memory_space<hbm>>
    %dma_start3A_131 = arith.constant 0 : i32
    %dma_start3A_132 = tpu.memref_slice %arg4[%dma_start3A_125, %dma_start3A_131] : memref<17x4080xf32, #tpu.memory_space<vmem>> -> memref<1x4080xf32, #tpu.memory_space<vmem>>
    %dma_start3A_133 = tpu.memref_squeeze %dma_start3A_132 : memref<1x4080xf32, #tpu.memory_space<vmem>> -> memref<4080xf32, #tpu.memory_space<vmem>>
    %dma_start3A_134 = arith.constant 22528 : i32
    %dma_start3A_135 = tpu.memref_slice %arg2[%dma_start3A_134] : memref<32768xf32, #tpu.memory_space<hbm>> -> memref<4080xf32, #tpu.memory_space<hbm>>
    tpu.enqueue_dma source(%dma_start3A_135 : memref<4080xf32, #tpu.memory_space<hbm>>) target(%dma_start3A_133 : memref<4080xf32, #tpu.memory_space<vmem>>) target_semaphore(%arg5 : memref<!tpu.dma_semaphore, #tpu.memory_space<semaphore_mem>>)
    %dma_start3A_136 = arith.constant 12 : i32
    %dma_start3A_137 = arith.constant 0 : i32
    %dma_start3A_138 = tpu.memref_slice %arg4[%dma_start3A_136, %dma_start3A_137] : memref<17x4080xf32, #tpu.memory_space<vmem>> -> memref<1x4080xf32, #tpu.memory_space<vmem>>
    %dma_start3A_139 = tpu.memref_squeeze %dma_start3A_138 : memref<1x4080xf32, #tpu.memory_space<vmem>> -> memref<4080xf32, #tpu.memory_space<vmem>>
    %dma_start3A_140 = arith.constant 24576 : i32
    %dma_start3A_141 = tpu.memref_slice %arg2[%dma_start3A_140] : memref<32768xf32, #tpu.memory_space<hbm>> -> memref<4080xf32, #tpu.memory_space<hbm>>
    %dma_start3A_142 = arith.constant 0 : i32
    %dma_start3A_143 = tpu.memref_slice %arg4[%dma_start3A_136, %dma_start3A_142] : memref<17x4080xf32, #tpu.memory_space<vmem>> -> memref<1x4080xf32, #tpu.memory_space<vmem>>
    %dma_start3A_144 = tpu.memref_squeeze %dma_start3A_143 : memref<1x4080xf32, #tpu.memory_space<vmem>> -> memref<4080xf32, #tpu.memory_space<vmem>>
    %dma_start3A_145 = arith.constant 24576 : i32
    %dma_start3A_146 = tpu.memref_slice %arg2[%dma_start3A_145] : memref<32768xf32, #tpu.memory_space<hbm>> -> memref<4080xf32, #tpu.memory_space<hbm>>
    tpu.enqueue_dma source(%dma_start3A_146 : memref<4080xf32, #tpu.memory_space<hbm>>) target(%dma_start3A_144 : memref<4080xf32, #tpu.memory_space<vmem>>) target_semaphore(%arg5 : memref<!tpu.dma_semaphore, #tpu.memory_space<semaphore_mem>>)
    %dma_start3A_147 = arith.constant 13 : i32
    %dma_start3A_148 = arith.constant 0 : i32
    %dma_start3A_149 = tpu.memref_slice %arg4[%dma_start3A_147, %dma_start3A_148] : memref<17x4080xf32, #tpu.memory_space<vmem>> -> memref<1x4080xf32, #tpu.memory_space<vmem>>
    %dma_start3A_150 = tpu.memref_squeeze %dma_start3A_149 : memref<1x4080xf32, #tpu.memory_space<vmem>> -> memref<4080xf32, #tpu.memory_space<vmem>>
    %dma_start3A_151 = arith.constant 26624 : i32
    %dma_start3A_152 = tpu.memref_slice %arg2[%dma_start3A_151] : memref<32768xf32, #tpu.memory_space<hbm>> -> memref<4080xf32, #tpu.memory_space<hbm>>
    %dma_start3A_153 = arith.constant 0 : i32
    %dma_start3A_154 = tpu.memref_slice %arg4[%dma_start3A_147, %dma_start3A_153] : memref<17x4080xf32, #tpu.memory_space<vmem>> -> memref<1x4080xf32, #tpu.memory_space<vmem>>
    %dma_start3A_155 = tpu.memref_squeeze %dma_start3A_154 : memref<1x4080xf32, #tpu.memory_space<vmem>> -> memref<4080xf32, #tpu.memory_space<vmem>>
    %dma_start3A_156 = arith.constant 26624 : i32
    %dma_start3A_157 = tpu.memref_slice %arg2[%dma_start3A_156] : memref<32768xf32, #tpu.memory_space<hbm>> -> memref<4080xf32, #tpu.memory_space<hbm>>
    tpu.enqueue_dma source(%dma_start3A_157 : memref<4080xf32, #tpu.memory_space<hbm>>) target(%dma_start3A_155 : memref<4080xf32, #tpu.memory_space<vmem>>) target_semaphore(%arg5 : memref<!tpu.dma_semaphore, #tpu.memory_space<semaphore_mem>>)
    %dma_start3A_158 = arith.constant 14 : i32
    %dma_start3A_159 = arith.constant 0 : i32
    %dma_start3A_160 = tpu.memref_slice %arg4[%dma_start3A_158, %dma_start3A_159] : memref<17x4080xf32, #tpu.memory_space<vmem>> -> memref<1x4080xf32, #tpu.memory_space<vmem>>
    %dma_start3A_161 = tpu.memref_squeeze %dma_start3A_160 : memref<1x4080xf32, #tpu.memory_space<vmem>> -> memref<4080xf32, #tpu.memory_space<vmem>>
    %dma_start3A_162 = arith.constant 28672 : i32
    %dma_start3A_163 = tpu.memref_slice %arg2[%dma_start3A_162] : memref<32768xf32, #tpu.memory_space<hbm>> -> memref<4080xf32, #tpu.memory_space<hbm>>
    %dma_start3A_164 = arith.constant 0 : i32
    %dma_start3A_165 = tpu.memref_slice %arg4[%dma_start3A_158, %dma_start3A_164] : memref<17x4080xf32, #tpu.memory_space<vmem>> -> memref<1x4080xf32, #tpu.memory_space<vmem>>
    %dma_start3A_166 = tpu.memref_squeeze %dma_start3A_165 : memref<1x4080xf32, #tpu.memory_space<vmem>> -> memref<4080xf32, #tpu.memory_space<vmem>>
    %dma_start3A_167 = arith.constant 28672 : i32
    %dma_start3A_168 = tpu.memref_slice %arg2[%dma_start3A_167] : memref<32768xf32, #tpu.memory_space<hbm>> -> memref<4080xf32, #tpu.memory_space<hbm>>
    tpu.enqueue_dma source(%dma_start3A_168 : memref<4080xf32, #tpu.memory_space<hbm>>) target(%dma_start3A_166 : memref<4080xf32, #tpu.memory_space<vmem>>) target_semaphore(%arg5 : memref<!tpu.dma_semaphore, #tpu.memory_space<semaphore_mem>>)
    %dma_start3A_169 = arith.constant 15 : i32
    %dma_start3A_170 = arith.constant 0 : i32
    %dma_start3A_171 = tpu.memref_slice %arg4[%dma_start3A_169, %dma_start3A_170] : memref<17x4080xf32, #tpu.memory_space<vmem>> -> memref<1x2048xf32, #tpu.memory_space<vmem>>
    %dma_start3A_172 = tpu.memref_squeeze %dma_start3A_171 : memref<1x2048xf32, #tpu.memory_space<vmem>> -> memref<2048xf32, #tpu.memory_space<vmem>>
    %dma_start3A_173 = arith.constant 30720 : i32
    %dma_start3A_174 = tpu.memref_slice %arg2[%dma_start3A_173] : memref<32768xf32, #tpu.memory_space<hbm>> -> memref<2048xf32, #tpu.memory_space<hbm>>
    %dma_start3A_175 = arith.constant 0 : i32
    %dma_start3A_176 = tpu.memref_slice %arg4[%dma_start3A_169, %dma_start3A_175] : memref<17x4080xf32, #tpu.memory_space<vmem>> -> memref<1x2048xf32, #tpu.memory_space<vmem>>
    %dma_start3A_177 = tpu.memref_squeeze %dma_start3A_176 : memref<1x2048xf32, #tpu.memory_space<vmem>> -> memref<2048xf32, #tpu.memory_space<vmem>>
    %dma_start3A_178 = arith.constant 30720 : i32
    %dma_start3A_179 = tpu.memref_slice %arg2[%dma_start3A_178] : memref<32768xf32, #tpu.memory_space<hbm>> -> memref<2048xf32, #tpu.memory_space<hbm>>
    tpu.enqueue_dma source(%dma_start3A_179 : memref<2048xf32, #tpu.memory_space<hbm>>) target(%dma_start3A_177 : memref<2048xf32, #tpu.memory_space<vmem>>) target_semaphore(%arg5 : memref<!tpu.dma_semaphore, #tpu.memory_space<semaphore_mem>>)
    %dma_wait3A = arith.constant 0 : i32
    %dma_wait3A_180 = arith.constant 0 : i32
    %dma_wait3A_181 = tpu.memref_slice %arg4[%dma_wait3A, %dma_wait3A_180] : memref<17x4080xf32, #tpu.memory_space<vmem>> -> memref<1x4080xf32, #tpu.memory_space<vmem>>
    %dma_wait3A_182 = tpu.memref_squeeze %dma_wait3A_181 : memref<1x4080xf32, #tpu.memory_space<vmem>> -> memref<4080xf32, #tpu.memory_space<vmem>>
    %dma_wait3A_183 = arith.constant 0 : i32
    %dma_wait3A_184 = tpu.memref_slice %arg2[%dma_wait3A_183] : memref<32768xf32, #tpu.memory_space<hbm>> -> memref<4080xf32, #tpu.memory_space<hbm>>
    %dma_wait3A_185 = arith.constant 0 : i32
    %dma_wait3A_186 = tpu.memref_slice %arg4[%dma_wait3A, %dma_wait3A_185] : memref<17x4080xf32, #tpu.memory_space<vmem>> -> memref<1x4080xf32, #tpu.memory_space<vmem>>
    %dma_wait3A_187 = tpu.memref_squeeze %dma_wait3A_186 : memref<1x4080xf32, #tpu.memory_space<vmem>> -> memref<4080xf32, #tpu.memory_space<vmem>>
    %dma_wait3A_188 = arith.constant 0 : i32
    %dma_wait3A_189 = tpu.memref_slice %arg2[%dma_wait3A_188] : memref<32768xf32, #tpu.memory_space<hbm>> -> memref<4080xf32, #tpu.memory_space<hbm>>
    tpu.wait_dma2 semaphore(%arg5 : memref<!tpu.dma_semaphore, #tpu.memory_space<semaphore_mem>>) src(%dma_wait3A_189 : memref<4080xf32, #tpu.memory_space<hbm>>) dst(%dma_wait3A_187 : memref<4080xf32, #tpu.memory_space<vmem>>)
    %dma_wait3A_190 = arith.constant 1 : i32
    %dma_wait3A_191 = arith.constant 0 : i32
    %dma_wait3A_192 = tpu.memref_slice %arg4[%dma_wait3A_190, %dma_wait3A_191] : memref<17x4080xf32, #tpu.memory_space<vmem>> -> memref<1x4080xf32, #tpu.memory_space<vmem>>
    %dma_wait3A_193 = tpu.memref_squeeze %dma_wait3A_192 : memref<1x4080xf32, #tpu.memory_space<vmem>> -> memref<4080xf32, #tpu.memory_space<vmem>>
    %dma_wait3A_194 = arith.constant 2048 : i32
    %dma_wait3A_195 = tpu.memref_slice %arg2[%dma_wait3A_194] : memref<32768xf32, #tpu.memory_space<hbm>> -> memref<4080xf32, #tpu.memory_space<hbm>>
    %dma_wait3A_196 = arith.constant 0 : i32
    %dma_wait3A_197 = tpu.memref_slice %arg4[%dma_wait3A_190, %dma_wait3A_196] : memref<17x4080xf32, #tpu.memory_space<vmem>> -> memref<1x4080xf32, #tpu.memory_space<vmem>>
    %dma_wait3A_198 = tpu.memref_squeeze %dma_wait3A_197 : memref<1x4080xf32, #tpu.memory_space<vmem>> -> memref<4080xf32, #tpu.memory_space<vmem>>
    %dma_wait3A_199 = arith.constant 2048 : i32
    %dma_wait3A_200 = tpu.memref_slice %arg2[%dma_wait3A_199] : memref<32768xf32, #tpu.memory_space<hbm>> -> memref<4080xf32, #tpu.memory_space<hbm>>
    tpu.wait_dma2 semaphore(%arg5 : memref<!tpu.dma_semaphore, #tpu.memory_space<semaphore_mem>>) src(%dma_wait3A_200 : memref<4080xf32, #tpu.memory_space<hbm>>) dst(%dma_wait3A_198 : memref<4080xf32, #tpu.memory_space<vmem>>)
    %dma_wait3A_201 = arith.constant 2 : i32
    %dma_wait3A_202 = arith.constant 0 : i32
    %dma_wait3A_203 = tpu.memref_slice %arg4[%dma_wait3A_201, %dma_wait3A_202] : memref<17x4080xf32, #tpu.memory_space<vmem>> -> memref<1x4080xf32, #tpu.memory_space<vmem>>
    %dma_wait3A_204 = tpu.memref_squeeze %dma_wait3A_203 : memref<1x4080xf32, #tpu.memory_space<vmem>> -> memref<4080xf32, #tpu.memory_space<vmem>>
    %dma_wait3A_205 = arith.constant 4096 : i32
    %dma_wait3A_206 = tpu.memref_slice %arg2[%dma_wait3A_205] : memref<32768xf32, #tpu.memory_space<hbm>> -> memref<4080xf32, #tpu.memory_space<hbm>>
    %dma_wait3A_207 = arith.constant 0 : i32
    %dma_wait3A_208 = tpu.memref_slice %arg4[%dma_wait3A_201, %dma_wait3A_207] : memref<17x4080xf32, #tpu.memory_space<vmem>> -> memref<1x4080xf32, #tpu.memory_space<vmem>>
    %dma_wait3A_209 = tpu.memref_squeeze %dma_wait3A_208 : memref<1x4080xf32, #tpu.memory_space<vmem>> -> memref<4080xf32, #tpu.memory_space<vmem>>
    %dma_wait3A_210 = arith.constant 4096 : i32
    %dma_wait3A_211 = tpu.memref_slice %arg2[%dma_wait3A_210] : memref<32768xf32, #tpu.memory_space<hbm>> -> memref<4080xf32, #tpu.memory_space<hbm>>
    tpu.wait_dma2 semaphore(%arg5 : memref<!tpu.dma_semaphore, #tpu.memory_space<semaphore_mem>>) src(%dma_wait3A_211 : memref<4080xf32, #tpu.memory_space<hbm>>) dst(%dma_wait3A_209 : memref<4080xf32, #tpu.memory_space<vmem>>)
    %dma_wait3A_212 = arith.constant 3 : i32
    %dma_wait3A_213 = arith.constant 0 : i32
    %dma_wait3A_214 = tpu.memref_slice %arg4[%dma_wait3A_212, %dma_wait3A_213] : memref<17x4080xf32, #tpu.memory_space<vmem>> -> memref<1x4080xf32, #tpu.memory_space<vmem>>
    %dma_wait3A_215 = tpu.memref_squeeze %dma_wait3A_214 : memref<1x4080xf32, #tpu.memory_space<vmem>> -> memref<4080xf32, #tpu.memory_space<vmem>>
    %dma_wait3A_216 = arith.constant 6144 : i32
    %dma_wait3A_217 = tpu.memref_slice %arg2[%dma_wait3A_216] : memref<32768xf32, #tpu.memory_space<hbm>> -> memref<4080xf32, #tpu.memory_space<hbm>>
    %dma_wait3A_218 = arith.constant 0 : i32
    %dma_wait3A_219 = tpu.memref_slice %arg4[%dma_wait3A_212, %dma_wait3A_218] : memref<17x4080xf32, #tpu.memory_space<vmem>> -> memref<1x4080xf32, #tpu.memory_space<vmem>>
    %dma_wait3A_220 = tpu.memref_squeeze %dma_wait3A_219 : memref<1x4080xf32, #tpu.memory_space<vmem>> -> memref<4080xf32, #tpu.memory_space<vmem>>
    %dma_wait3A_221 = arith.constant 6144 : i32
    %dma_wait3A_222 = tpu.memref_slice %arg2[%dma_wait3A_221] : memref<32768xf32, #tpu.memory_space<hbm>> -> memref<4080xf32, #tpu.memory_space<hbm>>
    tpu.wait_dma2 semaphore(%arg5 : memref<!tpu.dma_semaphore, #tpu.memory_space<semaphore_mem>>) src(%dma_wait3A_222 : memref<4080xf32, #tpu.memory_space<hbm>>) dst(%dma_wait3A_220 : memref<4080xf32, #tpu.memory_space<vmem>>)
    %dma_wait3A_223 = arith.constant 4 : i32
    %dma_wait3A_224 = arith.constant 0 : i32
    %dma_wait3A_225 = tpu.memref_slice %arg4[%dma_wait3A_223, %dma_wait3A_224] : memref<17x4080xf32, #tpu.memory_space<vmem>> -> memref<1x4080xf32, #tpu.memory_space<vmem>>
    %dma_wait3A_226 = tpu.memref_squeeze %dma_wait3A_225 : memref<1x4080xf32, #tpu.memory_space<vmem>> -> memref<4080xf32, #tpu.memory_space<vmem>>
    %dma_wait3A_227 = arith.constant 8192 : i32
    %dma_wait3A_228 = tpu.memref_slice %arg2[%dma_wait3A_227] : memref<32768xf32, #tpu.memory_space<hbm>> -> memref<4080xf32, #tpu.memory_space<hbm>>
    %dma_wait3A_229 = arith.constant 0 : i32
    %dma_wait3A_230 = tpu.memref_slice %arg4[%dma_wait3A_223, %dma_wait3A_229] : memref<17x4080xf32, #tpu.memory_space<vmem>> -> memref<1x4080xf32, #tpu.memory_space<vmem>>
    %dma_wait3A_231 = tpu.memref_squeeze %dma_wait3A_230 : memref<1x4080xf32, #tpu.memory_space<vmem>> -> memref<4080xf32, #tpu.memory_space<vmem>>
    %dma_wait3A_232 = arith.constant 8192 : i32
    %dma_wait3A_233 = tpu.memref_slice %arg2[%dma_wait3A_232] : memref<32768xf32, #tpu.memory_space<hbm>> -> memref<4080xf32, #tpu.memory_space<hbm>>
    tpu.wait_dma2 semaphore(%arg5 : memref<!tpu.dma_semaphore, #tpu.memory_space<semaphore_mem>>) src(%dma_wait3A_233 : memref<4080xf32, #tpu.memory_space<hbm>>) dst(%dma_wait3A_231 : memref<4080xf32, #tpu.memory_space<vmem>>)
    %dma_wait3A_234 = arith.constant 5 : i32
    %dma_wait3A_235 = arith.constant 0 : i32
    %dma_wait3A_236 = tpu.memref_slice %arg4[%dma_wait3A_234, %dma_wait3A_235] : memref<17x4080xf32, #tpu.memory_space<vmem>> -> memref<1x4080xf32, #tpu.memory_space<vmem>>
    %dma_wait3A_237 = tpu.memref_squeeze %dma_wait3A_236 : memref<1x4080xf32, #tpu.memory_space<vmem>> -> memref<4080xf32, #tpu.memory_space<vmem>>
    %dma_wait3A_238 = arith.constant 10240 : i32
    %dma_wait3A_239 = tpu.memref_slice %arg2[%dma_wait3A_238] : memref<32768xf32, #tpu.memory_space<hbm>> -> memref<4080xf32, #tpu.memory_space<hbm>>
    %dma_wait3A_240 = arith.constant 0 : i32
    %dma_wait3A_241 = tpu.memref_slice %arg4[%dma_wait3A_234, %dma_wait3A_240] : memref<17x4080xf32, #tpu.memory_space<vmem>> -> memref<1x4080xf32, #tpu.memory_space<vmem>>
    %dma_wait3A_242 = tpu.memref_squeeze %dma_wait3A_241 : memref<1x4080xf32, #tpu.memory_space<vmem>> -> memref<4080xf32, #tpu.memory_space<vmem>>
    %dma_wait3A_243 = arith.constant 10240 : i32
    %dma_wait3A_244 = tpu.memref_slice %arg2[%dma_wait3A_243] : memref<32768xf32, #tpu.memory_space<hbm>> -> memref<4080xf32, #tpu.memory_space<hbm>>
    tpu.wait_dma2 semaphore(%arg5 : memref<!tpu.dma_semaphore, #tpu.memory_space<semaphore_mem>>) src(%dma_wait3A_244 : memref<4080xf32, #tpu.memory_space<hbm>>) dst(%dma_wait3A_242 : memref<4080xf32, #tpu.memory_space<vmem>>)
    %dma_wait3A_245 = arith.constant 6 : i32
    %dma_wait3A_246 = arith.constant 0 : i32
    %dma_wait3A_247 = tpu.memref_slice %arg4[%dma_wait3A_245, %dma_wait3A_246] : memref<17x4080xf32, #tpu.memory_space<vmem>> -> memref<1x4080xf32, #tpu.memory_space<vmem>>
    %dma_wait3A_248 = tpu.memref_squeeze %dma_wait3A_247 : memref<1x4080xf32, #tpu.memory_space<vmem>> -> memref<4080xf32, #tpu.memory_space<vmem>>
    %dma_wait3A_249 = arith.constant 12288 : i32
    %dma_wait3A_250 = tpu.memref_slice %arg2[%dma_wait3A_249] : memref<32768xf32, #tpu.memory_space<hbm>> -> memref<4080xf32, #tpu.memory_space<hbm>>
    %dma_wait3A_251 = arith.constant 0 : i32
    %dma_wait3A_252 = tpu.memref_slice %arg4[%dma_wait3A_245, %dma_wait3A_251] : memref<17x4080xf32, #tpu.memory_space<vmem>> -> memref<1x4080xf32, #tpu.memory_space<vmem>>
    %dma_wait3A_253 = tpu.memref_squeeze %dma_wait3A_252 : memref<1x4080xf32, #tpu.memory_space<vmem>> -> memref<4080xf32, #tpu.memory_space<vmem>>
    %dma_wait3A_254 = arith.constant 12288 : i32
    %dma_wait3A_255 = tpu.memref_slice %arg2[%dma_wait3A_254] : memref<32768xf32, #tpu.memory_space<hbm>> -> memref<4080xf32, #tpu.memory_space<hbm>>
    tpu.wait_dma2 semaphore(%arg5 : memref<!tpu.dma_semaphore, #tpu.memory_space<semaphore_mem>>) src(%dma_wait3A_255 : memref<4080xf32, #tpu.memory_space<hbm>>) dst(%dma_wait3A_253 : memref<4080xf32, #tpu.memory_space<vmem>>)
    %dma_wait3A_256 = arith.constant 7 : i32
    %dma_wait3A_257 = arith.constant 0 : i32
    %dma_wait3A_258 = tpu.memref_slice %arg4[%dma_wait3A_256, %dma_wait3A_257] : memref<17x4080xf32, #tpu.memory_space<vmem>> -> memref<1x4080xf32, #tpu.memory_space<vmem>>
    %dma_wait3A_259 = tpu.memref_squeeze %dma_wait3A_258 : memref<1x4080xf32, #tpu.memory_space<vmem>> -> memref<4080xf32, #tpu.memory_space<vmem>>
    %dma_wait3A_260 = arith.constant 14336 : i32
    %dma_wait3A_261 = tpu.memref_slice %arg2[%dma_wait3A_260] : memref<32768xf32, #tpu.memory_space<hbm>> -> memref<4080xf32, #tpu.memory_space<hbm>>
    %dma_wait3A_262 = arith.constant 0 : i32
    %dma_wait3A_263 = tpu.memref_slice %arg4[%dma_wait3A_256, %dma_wait3A_262] : memref<17x4080xf32, #tpu.memory_space<vmem>> -> memref<1x4080xf32, #tpu.memory_space<vmem>>
    %dma_wait3A_264 = tpu.memref_squeeze %dma_wait3A_263 : memref<1x4080xf32, #tpu.memory_space<vmem>> -> memref<4080xf32, #tpu.memory_space<vmem>>
    %dma_wait3A_265 = arith.constant 14336 : i32
    %dma_wait3A_266 = tpu.memref_slice %arg2[%dma_wait3A_265] : memref<32768xf32, #tpu.memory_space<hbm>> -> memref<4080xf32, #tpu.memory_space<hbm>>
    tpu.wait_dma2 semaphore(%arg5 : memref<!tpu.dma_semaphore, #tpu.memory_space<semaphore_mem>>) src(%dma_wait3A_266 : memref<4080xf32, #tpu.memory_space<hbm>>) dst(%dma_wait3A_264 : memref<4080xf32, #tpu.memory_space<vmem>>)
    %dma_wait3A_267 = arith.constant 8 : i32
    %dma_wait3A_268 = arith.constant 0 : i32
    %dma_wait3A_269 = tpu.memref_slice %arg4[%dma_wait3A_267, %dma_wait3A_268] : memref<17x4080xf32, #tpu.memory_space<vmem>> -> memref<1x4080xf32, #tpu.memory_space<vmem>>
    %dma_wait3A_270 = tpu.memref_squeeze %dma_wait3A_269 : memref<1x4080xf32, #tpu.memory_space<vmem>> -> memref<4080xf32, #tpu.memory_space<vmem>>
    %dma_wait3A_271 = arith.constant 16384 : i32
    %dma_wait3A_272 = tpu.memref_slice %arg2[%dma_wait3A_271] : memref<32768xf32, #tpu.memory_space<hbm>> -> memref<4080xf32, #tpu.memory_space<hbm>>
    %dma_wait3A_273 = arith.constant 0 : i32
    %dma_wait3A_274 = tpu.memref_slice %arg4[%dma_wait3A_267, %dma_wait3A_273] : memref<17x4080xf32, #tpu.memory_space<vmem>> -> memref<1x4080xf32, #tpu.memory_space<vmem>>
    %dma_wait3A_275 = tpu.memref_squeeze %dma_wait3A_274 : memref<1x4080xf32, #tpu.memory_space<vmem>> -> memref<4080xf32, #tpu.memory_space<vmem>>
    %dma_wait3A_276 = arith.constant 16384 : i32
    %dma_wait3A_277 = tpu.memref_slice %arg2[%dma_wait3A_276] : memref<32768xf32, #tpu.memory_space<hbm>> -> memref<4080xf32, #tpu.memory_space<hbm>>
    tpu.wait_dma2 semaphore(%arg5 : memref<!tpu.dma_semaphore, #tpu.memory_space<semaphore_mem>>) src(%dma_wait3A_277 : memref<4080xf32, #tpu.memory_space<hbm>>) dst(%dma_wait3A_275 : memref<4080xf32, #tpu.memory_space<vmem>>)
    %dma_wait3A_278 = arith.constant 9 : i32
    %dma_wait3A_279 = arith.constant 0 : i32
    %dma_wait3A_280 = tpu.memref_slice %arg4[%dma_wait3A_278, %dma_wait3A_279] : memref<17x4080xf32, #tpu.memory_space<vmem>> -> memref<1x4080xf32, #tpu.memory_space<vmem>>
    %dma_wait3A_281 = tpu.memref_squeeze %dma_wait3A_280 : memref<1x4080xf32, #tpu.memory_space<vmem>> -> memref<4080xf32, #tpu.memory_space<vmem>>
    %dma_wait3A_282 = arith.constant 18432 : i32
    %dma_wait3A_283 = tpu.memref_slice %arg2[%dma_wait3A_282] : memref<32768xf32, #tpu.memory_space<hbm>> -> memref<4080xf32, #tpu.memory_space<hbm>>
    %dma_wait3A_284 = arith.constant 0 : i32
    %dma_wait3A_285 = tpu.memref_slice %arg4[%dma_wait3A_278, %dma_wait3A_284] : memref<17x4080xf32, #tpu.memory_space<vmem>> -> memref<1x4080xf32, #tpu.memory_space<vmem>>
    %dma_wait3A_286 = tpu.memref_squeeze %dma_wait3A_285 : memref<1x4080xf32, #tpu.memory_space<vmem>> -> memref<4080xf32, #tpu.memory_space<vmem>>
    %dma_wait3A_287 = arith.constant 18432 : i32
    %dma_wait3A_288 = tpu.memref_slice %arg2[%dma_wait3A_287] : memref<32768xf32, #tpu.memory_space<hbm>> -> memref<4080xf32, #tpu.memory_space<hbm>>
    tpu.wait_dma2 semaphore(%arg5 : memref<!tpu.dma_semaphore, #tpu.memory_space<semaphore_mem>>) src(%dma_wait3A_288 : memref<4080xf32, #tpu.memory_space<hbm>>) dst(%dma_wait3A_286 : memref<4080xf32, #tpu.memory_space<vmem>>)
    %dma_wait3A_289 = arith.constant 10 : i32
    %dma_wait3A_290 = arith.constant 0 : i32
    %dma_wait3A_291 = tpu.memref_slice %arg4[%dma_wait3A_289, %dma_wait3A_290] : memref<17x4080xf32, #tpu.memory_space<vmem>> -> memref<1x4080xf32, #tpu.memory_space<vmem>>
    %dma_wait3A_292 = tpu.memref_squeeze %dma_wait3A_291 : memref<1x4080xf32, #tpu.memory_space<vmem>> -> memref<4080xf32, #tpu.memory_space<vmem>>
    %dma_wait3A_293 = arith.constant 20480 : i32
    %dma_wait3A_294 = tpu.memref_slice %arg2[%dma_wait3A_293] : memref<32768xf32, #tpu.memory_space<hbm>> -> memref<4080xf32, #tpu.memory_space<hbm>>
    %dma_wait3A_295 = arith.constant 0 : i32
    %dma_wait3A_296 = tpu.memref_slice %arg4[%dma_wait3A_289, %dma_wait3A_295] : memref<17x4080xf32, #tpu.memory_space<vmem>> -> memref<1x4080xf32, #tpu.memory_space<vmem>>
    %dma_wait3A_297 = tpu.memref_squeeze %dma_wait3A_296 : memref<1x4080xf32, #tpu.memory_space<vmem>> -> memref<4080xf32, #tpu.memory_space<vmem>>
    %dma_wait3A_298 = arith.constant 20480 : i32
    %dma_wait3A_299 = tpu.memref_slice %arg2[%dma_wait3A_298] : memref<32768xf32, #tpu.memory_space<hbm>> -> memref<4080xf32, #tpu.memory_space<hbm>>
    tpu.wait_dma2 semaphore(%arg5 : memref<!tpu.dma_semaphore, #tpu.memory_space<semaphore_mem>>) src(%dma_wait3A_299 : memref<4080xf32, #tpu.memory_space<hbm>>) dst(%dma_wait3A_297 : memref<4080xf32, #tpu.memory_space<vmem>>)
    %dma_wait3A_300 = arith.constant 11 : i32
    %dma_wait3A_301 = arith.constant 0 : i32
    %dma_wait3A_302 = tpu.memref_slice %arg4[%dma_wait3A_300, %dma_wait3A_301] : memref<17x4080xf32, #tpu.memory_space<vmem>> -> memref<1x4080xf32, #tpu.memory_space<vmem>>
    %dma_wait3A_303 = tpu.memref_squeeze %dma_wait3A_302 : memref<1x4080xf32, #tpu.memory_space<vmem>> -> memref<4080xf32, #tpu.memory_space<vmem>>
    %dma_wait3A_304 = arith.constant 22528 : i32
    %dma_wait3A_305 = tpu.memref_slice %arg2[%dma_wait3A_304] : memref<32768xf32, #tpu.memory_space<hbm>> -> memref<4080xf32, #tpu.memory_space<hbm>>
    %dma_wait3A_306 = arith.constant 0 : i32
    %dma_wait3A_307 = tpu.memref_slice %arg4[%dma_wait3A_300, %dma_wait3A_306] : memref<17x4080xf32, #tpu.memory_space<vmem>> -> memref<1x4080xf32, #tpu.memory_space<vmem>>
    %dma_wait3A_308 = tpu.memref_squeeze %dma_wait3A_307 : memref<1x4080xf32, #tpu.memory_space<vmem>> -> memref<4080xf32, #tpu.memory_space<vmem>>
    %dma_wait3A_309 = arith.constant 22528 : i32
    %dma_wait3A_310 = tpu.memref_slice %arg2[%dma_wait3A_309] : memref<32768xf32, #tpu.memory_space<hbm>> -> memref<4080xf32, #tpu.memory_space<hbm>>
    tpu.wait_dma2 semaphore(%arg5 : memref<!tpu.dma_semaphore, #tpu.memory_space<semaphore_mem>>) src(%dma_wait3A_310 : memref<4080xf32, #tpu.memory_space<hbm>>) dst(%dma_wait3A_308 : memref<4080xf32, #tpu.memory_space<vmem>>)
    %dma_wait3A_311 = arith.constant 12 : i32
    %dma_wait3A_312 = arith.constant 0 : i32
    %dma_wait3A_313 = tpu.memref_slice %arg4[%dma_wait3A_311, %dma_wait3A_312] : memref<17x4080xf32, #tpu.memory_space<vmem>> -> memref<1x4080xf32, #tpu.memory_space<vmem>>
    %dma_wait3A_314 = tpu.memref_squeeze %dma_wait3A_313 : memref<1x4080xf32, #tpu.memory_space<vmem>> -> memref<4080xf32, #tpu.memory_space<vmem>>
    %dma_wait3A_315 = arith.constant 24576 : i32
    %dma_wait3A_316 = tpu.memref_slice %arg2[%dma_wait3A_315] : memref<32768xf32, #tpu.memory_space<hbm>> -> memref<4080xf32, #tpu.memory_space<hbm>>
    %dma_wait3A_317 = arith.constant 0 : i32
    %dma_wait3A_318 = tpu.memref_slice %arg4[%dma_wait3A_311, %dma_wait3A_317] : memref<17x4080xf32, #tpu.memory_space<vmem>> -> memref<1x4080xf32, #tpu.memory_space<vmem>>
    %dma_wait3A_319 = tpu.memref_squeeze %dma_wait3A_318 : memref<1x4080xf32, #tpu.memory_space<vmem>> -> memref<4080xf32, #tpu.memory_space<vmem>>
    %dma_wait3A_320 = arith.constant 24576 : i32
    %dma_wait3A_321 = tpu.memref_slice %arg2[%dma_wait3A_320] : memref<32768xf32, #tpu.memory_space<hbm>> -> memref<4080xf32, #tpu.memory_space<hbm>>
    tpu.wait_dma2 semaphore(%arg5 : memref<!tpu.dma_semaphore, #tpu.memory_space<semaphore_mem>>) src(%dma_wait3A_321 : memref<4080xf32, #tpu.memory_space<hbm>>) dst(%dma_wait3A_319 : memref<4080xf32, #tpu.memory_space<vmem>>)
    %dma_wait3A_322 = arith.constant 13 : i32
    %dma_wait3A_323 = arith.constant 0 : i32
    %dma_wait3A_324 = tpu.memref_slice %arg4[%dma_wait3A_322, %dma_wait3A_323] : memref<17x4080xf32, #tpu.memory_space<vmem>> -> memref<1x4080xf32, #tpu.memory_space<vmem>>
    %dma_wait3A_325 = tpu.memref_squeeze %dma_wait3A_324 : memref<1x4080xf32, #tpu.memory_space<vmem>> -> memref<4080xf32, #tpu.memory_space<vmem>>
    %dma_wait3A_326 = arith.constant 26624 : i32
    %dma_wait3A_327 = tpu.memref_slice %arg2[%dma_wait3A_326] : memref<32768xf32, #tpu.memory_space<hbm>> -> memref<4080xf32, #tpu.memory_space<hbm>>
    %dma_wait3A_328 = arith.constant 0 : i32
    %dma_wait3A_329 = tpu.memref_slice %arg4[%dma_wait3A_322, %dma_wait3A_328] : memref<17x4080xf32, #tpu.memory_space<vmem>> -> memref<1x4080xf32, #tpu.memory_space<vmem>>
    %dma_wait3A_330 = tpu.memref_squeeze %dma_wait3A_329 : memref<1x4080xf32, #tpu.memory_space<vmem>> -> memref<4080xf32, #tpu.memory_space<vmem>>
    %dma_wait3A_331 = arith.constant 26624 : i32
    %dma_wait3A_332 = tpu.memref_slice %arg2[%dma_wait3A_331] : memref<32768xf32, #tpu.memory_space<hbm>> -> memref<4080xf32, #tpu.memory_space<hbm>>
    tpu.wait_dma2 semaphore(%arg5 : memref<!tpu.dma_semaphore, #tpu.memory_space<semaphore_mem>>) src(%dma_wait3A_332 : memref<4080xf32, #tpu.memory_space<hbm>>) dst(%dma_wait3A_330 : memref<4080xf32, #tpu.memory_space<vmem>>)
    %dma_wait3A_333 = arith.constant 14 : i32
    %dma_wait3A_334 = arith.constant 0 : i32
    %dma_wait3A_335 = tpu.memref_slice %arg4[%dma_wait3A_333, %dma_wait3A_334] : memref<17x4080xf32, #tpu.memory_space<vmem>> -> memref<1x4080xf32, #tpu.memory_space<vmem>>
    %dma_wait3A_336 = tpu.memref_squeeze %dma_wait3A_335 : memref<1x4080xf32, #tpu.memory_space<vmem>> -> memref<4080xf32, #tpu.memory_space<vmem>>
    %dma_wait3A_337 = arith.constant 28672 : i32
    %dma_wait3A_338 = tpu.memref_slice %arg2[%dma_wait3A_337] : memref<32768xf32, #tpu.memory_space<hbm>> -> memref<4080xf32, #tpu.memory_space<hbm>>
    %dma_wait3A_339 = arith.constant 0 : i32
    %dma_wait3A_340 = tpu.memref_slice %arg4[%dma_wait3A_333, %dma_wait3A_339] : memref<17x4080xf32, #tpu.memory_space<vmem>> -> memref<1x4080xf32, #tpu.memory_space<vmem>>
    %dma_wait3A_341 = tpu.memref_squeeze %dma_wait3A_340 : memref<1x4080xf32, #tpu.memory_space<vmem>> -> memref<4080xf32, #tpu.memory_space<vmem>>
    %dma_wait3A_342 = arith.constant 28672 : i32
    %dma_wait3A_343 = tpu.memref_slice %arg2[%dma_wait3A_342] : memref<32768xf32, #tpu.memory_space<hbm>> -> memref<4080xf32, #tpu.memory_space<hbm>>
    tpu.wait_dma2 semaphore(%arg5 : memref<!tpu.dma_semaphore, #tpu.memory_space<semaphore_mem>>) src(%dma_wait3A_343 : memref<4080xf32, #tpu.memory_space<hbm>>) dst(%dma_wait3A_341 : memref<4080xf32, #tpu.memory_space<vmem>>)
    %dma_wait3A_344 = arith.constant 15 : i32
    %dma_wait3A_345 = arith.constant 0 : i32
    %dma_wait3A_346 = tpu.memref_slice %arg4[%dma_wait3A_344, %dma_wait3A_345] : memref<17x4080xf32, #tpu.memory_space<vmem>> -> memref<1x2048xf32, #tpu.memory_space<vmem>>
    %dma_wait3A_347 = tpu.memref_squeeze %dma_wait3A_346 : memref<1x2048xf32, #tpu.memory_space<vmem>> -> memref<2048xf32, #tpu.memory_space<vmem>>
    %dma_wait3A_348 = arith.constant 30720 : i32
    %dma_wait3A_349 = tpu.memref_slice %arg2[%dma_wait3A_348] : memref<32768xf32, #tpu.memory_space<hbm>> -> memref<2048xf32, #tpu.memory_space<hbm>>
    %dma_wait3A_350 = arith.constant 0 : i32
    %dma_wait3A_351 = tpu.memref_slice %arg4[%dma_wait3A_344, %dma_wait3A_350] : memref<17x4080xf32, #tpu.memory_space<vmem>> -> memref<1x2048xf32, #tpu.memory_space<vmem>>
    %dma_wait3A_352 = tpu.memref_squeeze %dma_wait3A_351 : memref<1x2048xf32, #tpu.memory_space<vmem>> -> memref<2048xf32, #tpu.memory_space<vmem>>
    %dma_wait3A_353 = arith.constant 30720 : i32
    %dma_wait3A_354 = tpu.memref_slice %arg2[%dma_wait3A_353] : memref<32768xf32, #tpu.memory_space<hbm>> -> memref<2048xf32, #tpu.memory_space<hbm>>
    tpu.wait_dma2 semaphore(%arg5 : memref<!tpu.dma_semaphore, #tpu.memory_space<semaphore_mem>>) src(%dma_wait3A_354 : memref<2048xf32, #tpu.memory_space<hbm>>) dst(%dma_wait3A_352 : memref<2048xf32, #tpu.memory_space<vmem>>)
    %get3A = arith.constant 15 : i32
    %get3A_355 = arith.index_cast %get3A : i32 to index
    %get3A_356 = arith.constant 2032 : index
    %get3A_357 = tpu.vector_load %arg4[%get3A_355, %get3A_356] {strides = array<i32>} : memref<17x4080xf32, #tpu.memory_space<vmem>>, vector<1x16xf32>,
    %get3A_358 = vector.shape_cast %get3A_357 : vector<1x16xf32> to vector<16xf32>
    %scan3A = arith.constant 0 : i32
    %scan3A_359 = arith.constant 0 : i32
    %scan3A_360 = arith.constant 127 : i32
    %scan3A_361 = arith.addi %scan3A_359, %scan3A_360 : i32
    %scan3A_362 = arith.constant 1 : i32
    scf.for %scan3A_630 = %scan3A_359 to %scan3A_361 step %scan3A_362  : i32 {
      %mul3A_631 = arith.constant 16 : i32
      %mul3A_632 = arith.muli %scan3A_630, %mul3A_631 : i32
      %add3A_633 = arith.constant 2048 : i32
      %add3A_634 = arith.addi %add3A_633, %mul3A_632 : i32
      %swap3A = arith.constant 15 : i32
      %swap3A_635 = arith.index_cast %swap3A : i32 to index
      %swap3A_636 = arith.index_cast %add3A_634 : i32 to index
      %swap3A_637 = tpu.vector_load %arg4[%swap3A_635, %swap3A_636] {strides = array<i32>} : memref<17x4080xf32, #tpu.memory_space<vmem>>, vector<1x16xf32>,
      %swap3A_638 = vector.shape_cast %swap3A_637 : vector<1x16xf32> to vector<16xf32>
      %swap3A_639 = vector.shape_cast %get3A_358 : vector<16xf32> to vector<1x16xf32>
      tpu.vector_store %arg4[%swap3A_635, %swap3A_636], %swap3A_639 {strides = array<i32>} : memref<17x4080xf32, #tpu.memory_space<vmem>>, vector<1x16xf32>,
    }
    %scan3A_363 = arith.constant 127 : i32
    %scan3A_364 = arith.constant 0 : i32
    %scan3A_365 = arith.constant 0 : i32
    %scan3A_366 = arith.constant 255 : i32
    %scan3A_367 = arith.addi %scan3A_365, %scan3A_366 : i32
    %scan3A_368 = arith.constant 1 : i32
    scf.for %scan3A_630 = %scan3A_365 to %scan3A_367 step %scan3A_368  : i32 {
      %mul3A_631 = arith.constant 16 : i32
      %mul3A_632 = arith.muli %scan3A_630, %mul3A_631 : i32
      %add3A_633 = arith.constant 0 : i32
      %add3A_634 = arith.addi %add3A_633, %mul3A_632 : i32
      %swap3A = arith.constant 16 : i32
      %swap3A_635 = arith.index_cast %swap3A : i32 to index
      %swap3A_636 = arith.index_cast %add3A_634 : i32 to index
      %swap3A_637 = tpu.vector_load %arg4[%swap3A_635, %swap3A_636] {strides = array<i32>} : memref<17x4080xf32, #tpu.memory_space<vmem>>, vector<1x16xf32>,
      %swap3A_638 = vector.shape_cast %swap3A_637 : vector<1x16xf32> to vector<16xf32>
      %swap3A_639 = vector.shape_cast %get3A_358 : vector<16xf32> to vector<1x16xf32>
      tpu.vector_store %arg4[%swap3A_635, %swap3A_636], %swap3A_639 {strides = array<i32>} : memref<17x4080xf32, #tpu.memory_space<vmem>>, vector<1x16xf32>,
    }
    %scan3A_369 = arith.constant 255 : i32
    %add3A_370 = arith.constant 0 : i32
    %add3A_371 = arith.addi %add3A_4, %add3A_370 : i32
    %sub3A = arith.constant 2047 : i32
    %sub3A_372 = arith.subi %sub3A, %add3A_371 : i32
    %mul3A_373 = arith.constant 16 : i32
    %mul3A_374 = arith.muli %sub3A_372, %mul3A_373 : i32
    %shift_right_arithmetic3A = arith.constant 11 : i32
    %shift_right_arithmetic3A_375 = arith.shrsi %mul3A_374, %shift_right_arithmetic3A : i32
    %and3A = arith.constant 2047 : i32
    %and3A_376 = arith.andi %mul3A_374, %and3A : i32
    %multiple_of3A = tpu.assume_multiple %and3A_376, 16 : i32
    %sub3A_377 = arith.constant 1792 : i32
    %sub3A_378 = arith.subi %add3A_371, %sub3A_377 : i32
    %add3A_379 = arith.constant 1 : i32
    %add3A_380 = arith.addi %add3A_4, %add3A_379 : i32
    %sub3A_381 = arith.constant 2047 : i32
    %sub3A_382 = arith.subi %sub3A_381, %add3A_380 : i32
    %mul3A_383 = arith.constant 16 : i32
    %mul3A_384 = arith.muli %sub3A_382, %mul3A_383 : i32
    %shift_right_arithmetic3A_385 = arith.constant 11 : i32
    %shift_right_arithmetic3A_386 = arith.shrsi %mul3A_384, %shift_right_arithmetic3A_385 : i32
    %and3A_387 = arith.constant 2047 : i32
    %and3A_388 = arith.andi %mul3A_384, %and3A_387 : i32
    %multiple_of3A_389 = tpu.assume_multiple %and3A_388, 16 : i32
    %sub3A_390 = arith.constant 1792 : i32
    %sub3A_391 = arith.subi %add3A_380, %sub3A_390 : i32
    %add3A_392 = arith.constant 2 : i32
    %add3A_393 = arith.addi %add3A_4, %add3A_392 : i32
    %sub3A_394 = arith.constant 2047 : i32
    %sub3A_395 = arith.subi %sub3A_394, %add3A_393 : i32
    %mul3A_396 = arith.constant 16 : i32
    %mul3A_397 = arith.muli %sub3A_395, %mul3A_396 : i32
    %shift_right_arithmetic3A_398 = arith.constant 11 : i32
    %shift_right_arithmetic3A_399 = arith.shrsi %mul3A_397, %shift_right_arithmetic3A_398 : i32
    %and3A_400 = arith.constant 2047 : i32
    %and3A_401 = arith.andi %mul3A_397, %and3A_400 : i32
    %multiple_of3A_402 = tpu.assume_multiple %and3A_401, 16 : i32
    %sub3A_403 = arith.constant 1792 : i32
    %sub3A_404 = arith.subi %add3A_393, %sub3A_403 : i32
    %add3A_405 = arith.constant 3 : i32
    %add3A_406 = arith.addi %add3A_4, %add3A_405 : i32
    %sub3A_407 = arith.constant 2047 : i32
    %sub3A_408 = arith.subi %sub3A_407, %add3A_406 : i32
    %mul3A_409 = arith.constant 16 : i32
    %mul3A_410 = arith.muli %sub3A_408, %mul3A_409 : i32
    %shift_right_arithmetic3A_411 = arith.constant 11 : i32
    %shift_right_arithmetic3A_412 = arith.shrsi %mul3A_410, %shift_right_arithmetic3A_411 : i32
    %and3A_413 = arith.constant 2047 : i32
    %and3A_414 = arith.andi %mul3A_410, %and3A_413 : i32
    %multiple_of3A_415 = tpu.assume_multiple %and3A_414, 16 : i32
    %sub3A_416 = arith.constant 1792 : i32
    %sub3A_417 = arith.subi %add3A_406, %sub3A_416 : i32
    %add3A_418 = arith.constant 4 : i32
    %add3A_419 = arith.addi %add3A_4, %add3A_418 : i32
    %sub3A_420 = arith.constant 2047 : i32
    %sub3A_421 = arith.subi %sub3A_420, %add3A_419 : i32
    %mul3A_422 = arith.constant 16 : i32
    %mul3A_423 = arith.muli %sub3A_421, %mul3A_422 : i32
    %shift_right_arithmetic3A_424 = arith.constant 11 : i32
    %shift_right_arithmetic3A_425 = arith.shrsi %mul3A_423, %shift_right_arithmetic3A_424 : i32
    %and3A_426 = arith.constant 2047 : i32
    %and3A_427 = arith.andi %mul3A_423, %and3A_426 : i32
    %multiple_of3A_428 = tpu.assume_multiple %and3A_427, 16 : i32
    %sub3A_429 = arith.constant 1792 : i32
    %sub3A_430 = arith.subi %add3A_419, %sub3A_429 : i32
    %add3A_431 = arith.constant 5 : i32
    %add3A_432 = arith.addi %add3A_4, %add3A_431 : i32
    %sub3A_433 = arith.constant 2047 : i32
    %sub3A_434 = arith.subi %sub3A_433, %add3A_432 : i32
    %mul3A_435 = arith.constant 16 : i32
    %mul3A_436 = arith.muli %sub3A_434, %mul3A_435 : i32
    %shift_right_arithmetic3A_437 = arith.constant 11 : i32
    %shift_right_arithmetic3A_438 = arith.shrsi %mul3A_436, %shift_right_arithmetic3A_437 : i32
    %and3A_439 = arith.constant 2047 : i32
    %and3A_440 = arith.andi %mul3A_436, %and3A_439 : i32
    %multiple_of3A_441 = tpu.assume_multiple %and3A_440, 16 : i32
    %sub3A_442 = arith.constant 1792 : i32
    %sub3A_443 = arith.subi %add3A_432, %sub3A_442 : i32
    %add3A_444 = arith.constant 6 : i32
    %add3A_445 = arith.addi %add3A_4, %add3A_444 : i32
    %sub3A_446 = arith.constant 2047 : i32
    %sub3A_447 = arith.subi %sub3A_446, %add3A_445 : i32
    %mul3A_448 = arith.constant 16 : i32
    %mul3A_449 = arith.muli %sub3A_447, %mul3A_448 : i32
    %shift_right_arithmetic3A_450 = arith.constant 11 : i32
    %shift_right_arithmetic3A_451 = arith.shrsi %mul3A_449, %shift_right_arithmetic3A_450 : i32
    %and3A_452 = arith.constant 2047 : i32
    %and3A_453 = arith.andi %mul3A_449, %and3A_452 : i32
    %multiple_of3A_454 = tpu.assume_multiple %and3A_453, 16 : i32
    %sub3A_455 = arith.constant 1792 : i32
    %sub3A_456 = arith.subi %add3A_445, %sub3A_455 : i32
    %add3A_457 = arith.constant 7 : i32
    %add3A_458 = arith.addi %add3A_4, %add3A_457 : i32
    %sub3A_459 = arith.constant 2047 : i32
    %sub3A_460 = arith.subi %sub3A_459, %add3A_458 : i32
    %mul3A_461 = arith.constant 16 : i32
    %mul3A_462 = arith.muli %sub3A_460, %mul3A_461 : i32
    %shift_right_arithmetic3A_463 = arith.constant 11 : i32
    %shift_right_arithmetic3A_464 = arith.shrsi %mul3A_462, %shift_right_arithmetic3A_463 : i32
    %and3A_465 = arith.constant 2047 : i32
    %and3A_466 = arith.andi %mul3A_462, %and3A_465 : i32
    %multiple_of3A_467 = tpu.assume_multiple %and3A_466, 16 : i32
    %sub3A_468 = arith.constant 1792 : i32
    %sub3A_469 = arith.subi %add3A_458, %sub3A_468 : i32
    %dma_start3A_470 = tpu.memref_slice %arg4[%shift_right_arithmetic3A_375, %multiple_of3A] : memref<17x4080xf32, #tpu.memory_space<vmem>> -> memref<16x2048xf32, #tpu.memory_space<vmem>>
    %dma_start3A_471 = arith.constant 0 : i32
    %dma_start3A_472 = arith.constant 0 : i32
    %dma_start3A_473 = tpu.memref_slice %arg3[%sub3A_378, %dma_start3A_471, %dma_start3A_472] : memref<256x16x2048xf32, #tpu.memory_space<hbm>> -> memref<1x16x2048xf32, #tpu.memory_space<hbm>>
    %dma_start3A_474 = tpu.memref_squeeze %dma_start3A_473 : memref<1x16x2048xf32, #tpu.memory_space<hbm>> -> memref<16x2048xf32, #tpu.memory_space<hbm>>
    %dma_start3A_475 = arith.constant 0 : i32
    %dma_start3A_476 = arith.constant 0 : i32
    %dma_start3A_477 = tpu.memref_slice %arg3[%sub3A_378, %dma_start3A_475, %dma_start3A_476] : memref<256x16x2048xf32, #tpu.memory_space<hbm>> -> memref<1x16x2048xf32, #tpu.memory_space<hbm>>
    %dma_start3A_478 = tpu.memref_squeeze %dma_start3A_477 : memref<1x16x2048xf32, #tpu.memory_space<hbm>> -> memref<16x2048xf32, #tpu.memory_space<hbm>>
    %dma_start3A_479 = tpu.memref_slice %arg4[%shift_right_arithmetic3A_375, %multiple_of3A] : memref<17x4080xf32, #tpu.memory_space<vmem>> -> memref<16x2048xf32, #tpu.memory_space<vmem>>
    tpu.enqueue_dma source(%dma_start3A_479 : memref<16x2048xf32, #tpu.memory_space<vmem>>) target(%dma_start3A_478 : memref<16x2048xf32, #tpu.memory_space<hbm>>) target_semaphore(%arg5 : memref<!tpu.dma_semaphore, #tpu.memory_space<semaphore_mem>>)
    %dma_start3A_480 = tpu.memref_slice %arg4[%shift_right_arithmetic3A_386, %multiple_of3A_389] : memref<17x4080xf32, #tpu.memory_space<vmem>> -> memref<16x2048xf32, #tpu.memory_space<vmem>>
    %dma_start3A_481 = arith.constant 0 : i32
    %dma_start3A_482 = arith.constant 0 : i32
    %dma_start3A_483 = tpu.memref_slice %arg3[%sub3A_391, %dma_start3A_481, %dma_start3A_482] : memref<256x16x2048xf32, #tpu.memory_space<hbm>> -> memref<1x16x2048xf32, #tpu.memory_space<hbm>>
    %dma_start3A_484 = tpu.memref_squeeze %dma_start3A_483 : memref<1x16x2048xf32, #tpu.memory_space<hbm>> -> memref<16x2048xf32, #tpu.memory_space<hbm>>
    %dma_start3A_485 = arith.constant 0 : i32
    %dma_start3A_486 = arith.constant 0 : i32
    %dma_start3A_487 = tpu.memref_slice %arg3[%sub3A_391, %dma_start3A_485, %dma_start3A_486] : memref<256x16x2048xf32, #tpu.memory_space<hbm>> -> memref<1x16x2048xf32, #tpu.memory_space<hbm>>
    %dma_start3A_488 = tpu.memref_squeeze %dma_start3A_487 : memref<1x16x2048xf32, #tpu.memory_space<hbm>> -> memref<16x2048xf32, #tpu.memory_space<hbm>>
    %dma_start3A_489 = tpu.memref_slice %arg4[%shift_right_arithmetic3A_386, %multiple_of3A_389] : memref<17x4080xf32, #tpu.memory_space<vmem>> -> memref<16x2048xf32, #tpu.memory_space<vmem>>
    tpu.enqueue_dma source(%dma_start3A_489 : memref<16x2048xf32, #tpu.memory_space<vmem>>) target(%dma_start3A_488 : memref<16x2048xf32, #tpu.memory_space<hbm>>) target_semaphore(%arg5 : memref<!tpu.dma_semaphore, #tpu.memory_space<semaphore_mem>>)
    %dma_start3A_490 = tpu.memref_slice %arg4[%shift_right_arithmetic3A_399, %multiple_of3A_402] : memref<17x4080xf32, #tpu.memory_space<vmem>> -> memref<16x2048xf32, #tpu.memory_space<vmem>>
    %dma_start3A_491 = arith.constant 0 : i32
    %dma_start3A_492 = arith.constant 0 : i32
    %dma_start3A_493 = tpu.memref_slice %arg3[%sub3A_404, %dma_start3A_491, %dma_start3A_492] : memref<256x16x2048xf32, #tpu.memory_space<hbm>> -> memref<1x16x2048xf32, #tpu.memory_space<hbm>>
    %dma_start3A_494 = tpu.memref_squeeze %dma_start3A_493 : memref<1x16x2048xf32, #tpu.memory_space<hbm>> -> memref<16x2048xf32, #tpu.memory_space<hbm>>
    %dma_start3A_495 = arith.constant 0 : i32
    %dma_start3A_496 = arith.constant 0 : i32
    %dma_start3A_497 = tpu.memref_slice %arg3[%sub3A_404, %dma_start3A_495, %dma_start3A_496] : memref<256x16x2048xf32, #tpu.memory_space<hbm>> -> memref<1x16x2048xf32, #tpu.memory_space<hbm>>
    %dma_start3A_498 = tpu.memref_squeeze %dma_start3A_497 : memref<1x16x2048xf32, #tpu.memory_space<hbm>> -> memref<16x2048xf32, #tpu.memory_space<hbm>>
    %dma_start3A_499 = tpu.memref_slice %arg4[%shift_right_arithmetic3A_399, %multiple_of3A_402] : memref<17x4080xf32, #tpu.memory_space<vmem>> -> memref<16x2048xf32, #tpu.memory_space<vmem>>
    tpu.enqueue_dma source(%dma_start3A_499 : memref<16x2048xf32, #tpu.memory_space<vmem>>) target(%dma_start3A_498 : memref<16x2048xf32, #tpu.memory_space<hbm>>) target_semaphore(%arg5 : memref<!tpu.dma_semaphore, #tpu.memory_space<semaphore_mem>>)
    %dma_start3A_500 = tpu.memref_slice %arg4[%shift_right_arithmetic3A_412, %multiple_of3A_415] : memref<17x4080xf32, #tpu.memory_space<vmem>> -> memref<16x2048xf32, #tpu.memory_space<vmem>>
    %dma_start3A_501 = arith.constant 0 : i32
    %dma_start3A_502 = arith.constant 0 : i32
    %dma_start3A_503 = tpu.memref_slice %arg3[%sub3A_417, %dma_start3A_501, %dma_start3A_502] : memref<256x16x2048xf32, #tpu.memory_space<hbm>> -> memref<1x16x2048xf32, #tpu.memory_space<hbm>>
    %dma_start3A_504 = tpu.memref_squeeze %dma_start3A_503 : memref<1x16x2048xf32, #tpu.memory_space<hbm>> -> memref<16x2048xf32, #tpu.memory_space<hbm>>
    %dma_start3A_505 = arith.constant 0 : i32
    %dma_start3A_506 = arith.constant 0 : i32
    %dma_start3A_507 = tpu.memref_slice %arg3[%sub3A_417, %dma_start3A_505, %dma_start3A_506] : memref<256x16x2048xf32, #tpu.memory_space<hbm>> -> memref<1x16x2048xf32, #tpu.memory_space<hbm>>
    %dma_start3A_508 = tpu.memref_squeeze %dma_start3A_507 : memref<1x16x2048xf32, #tpu.memory_space<hbm>> -> memref<16x2048xf32, #tpu.memory_space<hbm>>
    %dma_start3A_509 = tpu.memref_slice %arg4[%shift_right_arithmetic3A_412, %multiple_of3A_415] : memref<17x4080xf32, #tpu.memory_space<vmem>> -> memref<16x2048xf32, #tpu.memory_space<vmem>>
    tpu.enqueue_dma source(%dma_start3A_509 : memref<16x2048xf32, #tpu.memory_space<vmem>>) target(%dma_start3A_508 : memref<16x2048xf32, #tpu.memory_space<hbm>>) target_semaphore(%arg5 : memref<!tpu.dma_semaphore, #tpu.memory_space<semaphore_mem>>)
    %dma_start3A_510 = tpu.memref_slice %arg4[%shift_right_arithmetic3A_425, %multiple_of3A_428] : memref<17x4080xf32, #tpu.memory_space<vmem>> -> memref<16x2048xf32, #tpu.memory_space<vmem>>
    %dma_start3A_511 = arith.constant 0 : i32
    %dma_start3A_512 = arith.constant 0 : i32
    %dma_start3A_513 = tpu.memref_slice %arg3[%sub3A_430, %dma_start3A_511, %dma_start3A_512] : memref<256x16x2048xf32, #tpu.memory_space<hbm>> -> memref<1x16x2048xf32, #tpu.memory_space<hbm>>
    %dma_start3A_514 = tpu.memref_squeeze %dma_start3A_513 : memref<1x16x2048xf32, #tpu.memory_space<hbm>> -> memref<16x2048xf32, #tpu.memory_space<hbm>>
    %dma_start3A_515 = arith.constant 0 : i32
    %dma_start3A_516 = arith.constant 0 : i32
    %dma_start3A_517 = tpu.memref_slice %arg3[%sub3A_430, %dma_start3A_515, %dma_start3A_516] : memref<256x16x2048xf32, #tpu.memory_space<hbm>> -> memref<1x16x2048xf32, #tpu.memory_space<hbm>>
    %dma_start3A_518 = tpu.memref_squeeze %dma_start3A_517 : memref<1x16x2048xf32, #tpu.memory_space<hbm>> -> memref<16x2048xf32, #tpu.memory_space<hbm>>
    %dma_start3A_519 = tpu.memref_slice %arg4[%shift_right_arithmetic3A_425, %multiple_of3A_428] : memref<17x4080xf32, #tpu.memory_space<vmem>> -> memref<16x2048xf32, #tpu.memory_space<vmem>>
    tpu.enqueue_dma source(%dma_start3A_519 : memref<16x2048xf32, #tpu.memory_space<vmem>>) target(%dma_start3A_518 : memref<16x2048xf32, #tpu.memory_space<hbm>>) target_semaphore(%arg5 : memref<!tpu.dma_semaphore, #tpu.memory_space<semaphore_mem>>)
    %dma_start3A_520 = tpu.memref_slice %arg4[%shift_right_arithmetic3A_438, %multiple_of3A_441] : memref<17x4080xf32, #tpu.memory_space<vmem>> -> memref<16x2048xf32, #tpu.memory_space<vmem>>
    %dma_start3A_521 = arith.constant 0 : i32
    %dma_start3A_522 = arith.constant 0 : i32
    %dma_start3A_523 = tpu.memref_slice %arg3[%sub3A_443, %dma_start3A_521, %dma_start3A_522] : memref<256x16x2048xf32, #tpu.memory_space<hbm>> -> memref<1x16x2048xf32, #tpu.memory_space<hbm>>
    %dma_start3A_524 = tpu.memref_squeeze %dma_start3A_523 : memref<1x16x2048xf32, #tpu.memory_space<hbm>> -> memref<16x2048xf32, #tpu.memory_space<hbm>>
    %dma_start3A_525 = arith.constant 0 : i32
    %dma_start3A_526 = arith.constant 0 : i32
    %dma_start3A_527 = tpu.memref_slice %arg3[%sub3A_443, %dma_start3A_525, %dma_start3A_526] : memref<256x16x2048xf32, #tpu.memory_space<hbm>> -> memref<1x16x2048xf32, #tpu.memory_space<hbm>>
    %dma_start3A_528 = tpu.memref_squeeze %dma_start3A_527 : memref<1x16x2048xf32, #tpu.memory_space<hbm>> -> memref<16x2048xf32, #tpu.memory_space<hbm>>
    %dma_start3A_529 = tpu.memref_slice %arg4[%shift_right_arithmetic3A_438, %multiple_of3A_441] : memref<17x4080xf32, #tpu.memory_space<vmem>> -> memref<16x2048xf32, #tpu.memory_space<vmem>>
    tpu.enqueue_dma source(%dma_start3A_529 : memref<16x2048xf32, #tpu.memory_space<vmem>>) target(%dma_start3A_528 : memref<16x2048xf32, #tpu.memory_space<hbm>>) target_semaphore(%arg5 : memref<!tpu.dma_semaphore, #tpu.memory_space<semaphore_mem>>)
    %dma_start3A_530 = tpu.memref_slice %arg4[%shift_right_arithmetic3A_451, %multiple_of3A_454] : memref<17x4080xf32, #tpu.memory_space<vmem>> -> memref<16x2048xf32, #tpu.memory_space<vmem>>
    %dma_start3A_531 = arith.constant 0 : i32
    %dma_start3A_532 = arith.constant 0 : i32
    %dma_start3A_533 = tpu.memref_slice %arg3[%sub3A_456, %dma_start3A_531, %dma_start3A_532] : memref<256x16x2048xf32, #tpu.memory_space<hbm>> -> memref<1x16x2048xf32, #tpu.memory_space<hbm>>
    %dma_start3A_534 = tpu.memref_squeeze %dma_start3A_533 : memref<1x16x2048xf32, #tpu.memory_space<hbm>> -> memref<16x2048xf32, #tpu.memory_space<hbm>>
    %dma_start3A_535 = arith.constant 0 : i32
    %dma_start3A_536 = arith.constant 0 : i32
    %dma_start3A_537 = tpu.memref_slice %arg3[%sub3A_456, %dma_start3A_535, %dma_start3A_536] : memref<256x16x2048xf32, #tpu.memory_space<hbm>> -> memref<1x16x2048xf32, #tpu.memory_space<hbm>>
    %dma_start3A_538 = tpu.memref_squeeze %dma_start3A_537 : memref<1x16x2048xf32, #tpu.memory_space<hbm>> -> memref<16x2048xf32, #tpu.memory_space<hbm>>
    %dma_start3A_539 = tpu.memref_slice %arg4[%shift_right_arithmetic3A_451, %multiple_of3A_454] : memref<17x4080xf32, #tpu.memory_space<vmem>> -> memref<16x2048xf32, #tpu.memory_space<vmem>>
    tpu.enqueue_dma source(%dma_start3A_539 : memref<16x2048xf32, #tpu.memory_space<vmem>>) target(%dma_start3A_538 : memref<16x2048xf32, #tpu.memory_space<hbm>>) target_semaphore(%arg5 : memref<!tpu.dma_semaphore, #tpu.memory_space<semaphore_mem>>)
    %dma_start3A_540 = tpu.memref_slice %arg4[%shift_right_arithmetic3A_464, %multiple_of3A_467] : memref<17x4080xf32, #tpu.memory_space<vmem>> -> memref<16x2048xf32, #tpu.memory_space<vmem>>
    %dma_start3A_541 = arith.constant 0 : i32
    %dma_start3A_542 = arith.constant 0 : i32
    %dma_start3A_543 = tpu.memref_slice %arg3[%sub3A_469, %dma_start3A_541, %dma_start3A_542] : memref<256x16x2048xf32, #tpu.memory_space<hbm>> -> memref<1x16x2048xf32, #tpu.memory_space<hbm>>
    %dma_start3A_544 = tpu.memref_squeeze %dma_start3A_543 : memref<1x16x2048xf32, #tpu.memory_space<hbm>> -> memref<16x2048xf32, #tpu.memory_space<hbm>>
    %dma_start3A_545 = arith.constant 0 : i32
    %dma_start3A_546 = arith.constant 0 : i32
    %dma_start3A_547 = tpu.memref_slice %arg3[%sub3A_469, %dma_start3A_545, %dma_start3A_546] : memref<256x16x2048xf32, #tpu.memory_space<hbm>> -> memref<1x16x2048xf32, #tpu.memory_space<hbm>>
    %dma_start3A_548 = tpu.memref_squeeze %dma_start3A_547 : memref<1x16x2048xf32, #tpu.memory_space<hbm>> -> memref<16x2048xf32, #tpu.memory_space<hbm>>
    %dma_start3A_549 = tpu.memref_slice %arg4[%shift_right_arithmetic3A_464, %multiple_of3A_467] : memref<17x4080xf32, #tpu.memory_space<vmem>> -> memref<16x2048xf32, #tpu.memory_space<vmem>>
    tpu.enqueue_dma source(%dma_start3A_549 : memref<16x2048xf32, #tpu.memory_space<vmem>>) target(%dma_start3A_548 : memref<16x2048xf32, #tpu.memory_space<hbm>>) target_semaphore(%arg5 : memref<!tpu.dma_semaphore, #tpu.memory_space<semaphore_mem>>)
    %dma_wait3A_550 = tpu.memref_slice %arg4[%shift_right_arithmetic3A_375, %multiple_of3A] : memref<17x4080xf32, #tpu.memory_space<vmem>> -> memref<16x2048xf32, #tpu.memory_space<vmem>>
    %dma_wait3A_551 = arith.constant 0 : i32
    %dma_wait3A_552 = arith.constant 0 : i32
    %dma_wait3A_553 = tpu.memref_slice %arg3[%sub3A_378, %dma_wait3A_551, %dma_wait3A_552] : memref<256x16x2048xf32, #tpu.memory_space<hbm>> -> memref<1x16x2048xf32, #tpu.memory_space<hbm>>
    %dma_wait3A_554 = tpu.memref_squeeze %dma_wait3A_553 : memref<1x16x2048xf32, #tpu.memory_space<hbm>> -> memref<16x2048xf32, #tpu.memory_space<hbm>>
    %dma_wait3A_555 = arith.constant 0 : i32
    %dma_wait3A_556 = arith.constant 0 : i32
    %dma_wait3A_557 = tpu.memref_slice %arg3[%sub3A_378, %dma_wait3A_555, %dma_wait3A_556] : memref<256x16x2048xf32, #tpu.memory_space<hbm>> -> memref<1x16x2048xf32, #tpu.memory_space<hbm>>
    %dma_wait3A_558 = tpu.memref_squeeze %dma_wait3A_557 : memref<1x16x2048xf32, #tpu.memory_space<hbm>> -> memref<16x2048xf32, #tpu.memory_space<hbm>>
    %dma_wait3A_559 = tpu.memref_slice %arg4[%shift_right_arithmetic3A_375, %multiple_of3A] : memref<17x4080xf32, #tpu.memory_space<vmem>> -> memref<16x2048xf32, #tpu.memory_space<vmem>>
    tpu.wait_dma2 semaphore(%arg5 : memref<!tpu.dma_semaphore, #tpu.memory_space<semaphore_mem>>) src(%dma_wait3A_559 : memref<16x2048xf32, #tpu.memory_space<vmem>>) dst(%dma_wait3A_558 : memref<16x2048xf32, #tpu.memory_space<hbm>>)
    %dma_wait3A_560 = tpu.memref_slice %arg4[%shift_right_arithmetic3A_386, %multiple_of3A_389] : memref<17x4080xf32, #tpu.memory_space<vmem>> -> memref<16x2048xf32, #tpu.memory_space<vmem>>
    %dma_wait3A_561 = arith.constant 0 : i32
    %dma_wait3A_562 = arith.constant 0 : i32
    %dma_wait3A_563 = tpu.memref_slice %arg3[%sub3A_391, %dma_wait3A_561, %dma_wait3A_562] : memref<256x16x2048xf32, #tpu.memory_space<hbm>> -> memref<1x16x2048xf32, #tpu.memory_space<hbm>>
    %dma_wait3A_564 = tpu.memref_squeeze %dma_wait3A_563 : memref<1x16x2048xf32, #tpu.memory_space<hbm>> -> memref<16x2048xf32, #tpu.memory_space<hbm>>
    %dma_wait3A_565 = arith.constant 0 : i32
    %dma_wait3A_566 = arith.constant 0 : i32
    %dma_wait3A_567 = tpu.memref_slice %arg3[%sub3A_391, %dma_wait3A_565, %dma_wait3A_566] : memref<256x16x2048xf32, #tpu.memory_space<hbm>> -> memref<1x16x2048xf32, #tpu.memory_space<hbm>>
    %dma_wait3A_568 = tpu.memref_squeeze %dma_wait3A_567 : memref<1x16x2048xf32, #tpu.memory_space<hbm>> -> memref<16x2048xf32, #tpu.memory_space<hbm>>
    %dma_wait3A_569 = tpu.memref_slice %arg4[%shift_right_arithmetic3A_386, %multiple_of3A_389] : memref<17x4080xf32, #tpu.memory_space<vmem>> -> memref<16x2048xf32, #tpu.memory_space<vmem>>
    tpu.wait_dma2 semaphore(%arg5 : memref<!tpu.dma_semaphore, #tpu.memory_space<semaphore_mem>>) src(%dma_wait3A_569 : memref<16x2048xf32, #tpu.memory_space<vmem>>) dst(%dma_wait3A_568 : memref<16x2048xf32, #tpu.memory_space<hbm>>)
    %dma_wait3A_570 = tpu.memref_slice %arg4[%shift_right_arithmetic3A_399, %multiple_of3A_402] : memref<17x4080xf32, #tpu.memory_space<vmem>> -> memref<16x2048xf32, #tpu.memory_space<vmem>>
    %dma_wait3A_571 = arith.constant 0 : i32
    %dma_wait3A_572 = arith.constant 0 : i32
    %dma_wait3A_573 = tpu.memref_slice %arg3[%sub3A_404, %dma_wait3A_571, %dma_wait3A_572] : memref<256x16x2048xf32, #tpu.memory_space<hbm>> -> memref<1x16x2048xf32, #tpu.memory_space<hbm>>
    %dma_wait3A_574 = tpu.memref_squeeze %dma_wait3A_573 : memref<1x16x2048xf32, #tpu.memory_space<hbm>> -> memref<16x2048xf32, #tpu.memory_space<hbm>>
    %dma_wait3A_575 = arith.constant 0 : i32
    %dma_wait3A_576 = arith.constant 0 : i32
    %dma_wait3A_577 = tpu.memref_slice %arg3[%sub3A_404, %dma_wait3A_575, %dma_wait3A_576] : memref<256x16x2048xf32, #tpu.memory_space<hbm>> -> memref<1x16x2048xf32, #tpu.memory_space<hbm>>
    %dma_wait3A_578 = tpu.memref_squeeze %dma_wait3A_577 : memref<1x16x2048xf32, #tpu.memory_space<hbm>> -> memref<16x2048xf32, #tpu.memory_space<hbm>>
    %dma_wait3A_579 = tpu.memref_slice %arg4[%shift_right_arithmetic3A_399, %multiple_of3A_402] : memref<17x4080xf32, #tpu.memory_space<vmem>> -> memref<16x2048xf32, #tpu.memory_space<vmem>>
    tpu.wait_dma2 semaphore(%arg5 : memref<!tpu.dma_semaphore, #tpu.memory_space<semaphore_mem>>) src(%dma_wait3A_579 : memref<16x2048xf32, #tpu.memory_space<vmem>>) dst(%dma_wait3A_578 : memref<16x2048xf32, #tpu.memory_space<hbm>>)
    %dma_wait3A_580 = tpu.memref_slice %arg4[%shift_right_arithmetic3A_412, %multiple_of3A_415] : memref<17x4080xf32, #tpu.memory_space<vmem>> -> memref<16x2048xf32, #tpu.memory_space<vmem>>
    %dma_wait3A_581 = arith.constant 0 : i32
    %dma_wait3A_582 = arith.constant 0 : i32
    %dma_wait3A_583 = tpu.memref_slice %arg3[%sub3A_417, %dma_wait3A_581, %dma_wait3A_582] : memref<256x16x2048xf32, #tpu.memory_space<hbm>> -> memref<1x16x2048xf32, #tpu.memory_space<hbm>>
    %dma_wait3A_584 = tpu.memref_squeeze %dma_wait3A_583 : memref<1x16x2048xf32, #tpu.memory_space<hbm>> -> memref<16x2048xf32, #tpu.memory_space<hbm>>
    %dma_wait3A_585 = arith.constant 0 : i32
    %dma_wait3A_586 = arith.constant 0 : i32
    %dma_wait3A_587 = tpu.memref_slice %arg3[%sub3A_417, %dma_wait3A_585, %dma_wait3A_586] : memref<256x16x2048xf32, #tpu.memory_space<hbm>> -> memref<1x16x2048xf32, #tpu.memory_space<hbm>>
    %dma_wait3A_588 = tpu.memref_squeeze %dma_wait3A_587 : memref<1x16x2048xf32, #tpu.memory_space<hbm>> -> memref<16x2048xf32, #tpu.memory_space<hbm>>
    %dma_wait3A_589 = tpu.memref_slice %arg4[%shift_right_arithmetic3A_412, %multiple_of3A_415] : memref<17x4080xf32, #tpu.memory_space<vmem>> -> memref<16x2048xf32, #tpu.memory_space<vmem>>
    tpu.wait_dma2 semaphore(%arg5 : memref<!tpu.dma_semaphore, #tpu.memory_space<semaphore_mem>>) src(%dma_wait3A_589 : memref<16x2048xf32, #tpu.memory_space<vmem>>) dst(%dma_wait3A_588 : memref<16x2048xf32, #tpu.memory_space<hbm>>)
    %dma_wait3A_590 = tpu.memref_slice %arg4[%shift_right_arithmetic3A_425, %multiple_of3A_428] : memref<17x4080xf32, #tpu.memory_space<vmem>> -> memref<16x2048xf32, #tpu.memory_space<vmem>>
    %dma_wait3A_591 = arith.constant 0 : i32
    %dma_wait3A_592 = arith.constant 0 : i32
    %dma_wait3A_593 = tpu.memref_slice %arg3[%sub3A_430, %dma_wait3A_591, %dma_wait3A_592] : memref<256x16x2048xf32, #tpu.memory_space<hbm>> -> memref<1x16x2048xf32, #tpu.memory_space<hbm>>
    %dma_wait3A_594 = tpu.memref_squeeze %dma_wait3A_593 : memref<1x16x2048xf32, #tpu.memory_space<hbm>> -> memref<16x2048xf32, #tpu.memory_space<hbm>>
    %dma_wait3A_595 = arith.constant 0 : i32
    %dma_wait3A_596 = arith.constant 0 : i32
    %dma_wait3A_597 = tpu.memref_slice %arg3[%sub3A_430, %dma_wait3A_595, %dma_wait3A_596] : memref<256x16x2048xf32, #tpu.memory_space<hbm>> -> memref<1x16x2048xf32, #tpu.memory_space<hbm>>
    %dma_wait3A_598 = tpu.memref_squeeze %dma_wait3A_597 : memref<1x16x2048xf32, #tpu.memory_space<hbm>> -> memref<16x2048xf32, #tpu.memory_space<hbm>>
    %dma_wait3A_599 = tpu.memref_slice %arg4[%shift_right_arithmetic3A_425, %multiple_of3A_428] : memref<17x4080xf32, #tpu.memory_space<vmem>> -> memref<16x2048xf32, #tpu.memory_space<vmem>>
    tpu.wait_dma2 semaphore(%arg5 : memref<!tpu.dma_semaphore, #tpu.memory_space<semaphore_mem>>) src(%dma_wait3A_599 : memref<16x2048xf32, #tpu.memory_space<vmem>>) dst(%dma_wait3A_598 : memref<16x2048xf32, #tpu.memory_space<hbm>>)
    %dma_wait3A_600 = tpu.memref_slice %arg4[%shift_right_arithmetic3A_438, %multiple_of3A_441] : memref<17x4080xf32, #tpu.memory_space<vmem>> -> memref<16x2048xf32, #tpu.memory_space<vmem>>
    %dma_wait3A_601 = arith.constant 0 : i32
    %dma_wait3A_602 = arith.constant 0 : i32
    %dma_wait3A_603 = tpu.memref_slice %arg3[%sub3A_443, %dma_wait3A_601, %dma_wait3A_602] : memref<256x16x2048xf32, #tpu.memory_space<hbm>> -> memref<1x16x2048xf32, #tpu.memory_space<hbm>>
    %dma_wait3A_604 = tpu.memref_squeeze %dma_wait3A_603 : memref<1x16x2048xf32, #tpu.memory_space<hbm>> -> memref<16x2048xf32, #tpu.memory_space<hbm>>
    %dma_wait3A_605 = arith.constant 0 : i32
    %dma_wait3A_606 = arith.constant 0 : i32
    %dma_wait3A_607 = tpu.memref_slice %arg3[%sub3A_443, %dma_wait3A_605, %dma_wait3A_606] : memref<256x16x2048xf32, #tpu.memory_space<hbm>> -> memref<1x16x2048xf32, #tpu.memory_space<hbm>>
    %dma_wait3A_608 = tpu.memref_squeeze %dma_wait3A_607 : memref<1x16x2048xf32, #tpu.memory_space<hbm>> -> memref<16x2048xf32, #tpu.memory_space<hbm>>
    %dma_wait3A_609 = tpu.memref_slice %arg4[%shift_right_arithmetic3A_438, %multiple_of3A_441] : memref<17x4080xf32, #tpu.memory_space<vmem>> -> memref<16x2048xf32, #tpu.memory_space<vmem>>
    tpu.wait_dma2 semaphore(%arg5 : memref<!tpu.dma_semaphore, #tpu.memory_space<semaphore_mem>>) src(%dma_wait3A_609 : memref<16x2048xf32, #tpu.memory_space<vmem>>) dst(%dma_wait3A_608 : memref<16x2048xf32, #tpu.memory_space<hbm>>)
    %dma_wait3A_610 = tpu.memref_slice %arg4[%shift_right_arithmetic3A_451, %multiple_of3A_454] : memref<17x4080xf32, #tpu.memory_space<vmem>> -> memref<16x2048xf32, #tpu.memory_space<vmem>>
    %dma_wait3A_611 = arith.constant 0 : i32
    %dma_wait3A_612 = arith.constant 0 : i32
    %dma_wait3A_613 = tpu.memref_slice %arg3[%sub3A_456, %dma_wait3A_611, %dma_wait3A_612] : memref<256x16x2048xf32, #tpu.memory_space<hbm>> -> memref<1x16x2048xf32, #tpu.memory_space<hbm>>
    %dma_wait3A_614 = tpu.memref_squeeze %dma_wait3A_613 : memref<1x16x2048xf32, #tpu.memory_space<hbm>> -> memref<16x2048xf32, #tpu.memory_space<hbm>>
    %dma_wait3A_615 = arith.constant 0 : i32
    %dma_wait3A_616 = arith.constant 0 : i32
    %dma_wait3A_617 = tpu.memref_slice %arg3[%sub3A_456, %dma_wait3A_615, %dma_wait3A_616] : memref<256x16x2048xf32, #tpu.memory_space<hbm>> -> memref<1x16x2048xf32, #tpu.memory_space<hbm>>
    %dma_wait3A_618 = tpu.memref_squeeze %dma_wait3A_617 : memref<1x16x2048xf32, #tpu.memory_space<hbm>> -> memref<16x2048xf32, #tpu.memory_space<hbm>>
    %dma_wait3A_619 = tpu.memref_slice %arg4[%shift_right_arithmetic3A_451, %multiple_of3A_454] : memref<17x4080xf32, #tpu.memory_space<vmem>> -> memref<16x2048xf32, #tpu.memory_space<vmem>>
    tpu.wait_dma2 semaphore(%arg5 : memref<!tpu.dma_semaphore, #tpu.memory_space<semaphore_mem>>) src(%dma_wait3A_619 : memref<16x2048xf32, #tpu.memory_space<vmem>>) dst(%dma_wait3A_618 : memref<16x2048xf32, #tpu.memory_space<hbm>>)
    %dma_wait3A_620 = tpu.memref_slice %arg4[%shift_right_arithmetic3A_464, %multiple_of3A_467] : memref<17x4080xf32, #tpu.memory_space<vmem>> -> memref<16x2048xf32, #tpu.memory_space<vmem>>
    %dma_wait3A_621 = arith.constant 0 : i32
    %dma_wait3A_622 = arith.constant 0 : i32
    %dma_wait3A_623 = tpu.memref_slice %arg3[%sub3A_469, %dma_wait3A_621, %dma_wait3A_622] : memref<256x16x2048xf32, #tpu.memory_space<hbm>> -> memref<1x16x2048xf32, #tpu.memory_space<hbm>>
    %dma_wait3A_624 = tpu.memref_squeeze %dma_wait3A_623 : memref<1x16x2048xf32, #tpu.memory_space<hbm>> -> memref<16x2048xf32, #tpu.memory_space<hbm>>
    %dma_wait3A_625 = arith.constant 0 : i32
    %dma_wait3A_626 = arith.constant 0 : i32
    %dma_wait3A_627 = tpu.memref_slice %arg3[%sub3A_469, %dma_wait3A_625, %dma_wait3A_626] : memref<256x16x2048xf32, #tpu.memory_space<hbm>> -> memref<1x16x2048xf32, #tpu.memory_space<hbm>>
    %dma_wait3A_628 = tpu.memref_squeeze %dma_wait3A_627 : memref<1x16x2048xf32, #tpu.memory_space<hbm>> -> memref<16x2048xf32, #tpu.memory_space<hbm>>
    %dma_wait3A_629 = tpu.memref_slice %arg4[%shift_right_arithmetic3A_464, %multiple_of3A_467] : memref<17x4080xf32, #tpu.memory_space<vmem>> -> memref<16x2048xf32, #tpu.memory_space<vmem>>
    tpu.wait_dma2 semaphore(%arg5 : memref<!tpu.dma_semaphore, #tpu.memory_space<semaphore_mem>>) src(%dma_wait3A_629 : memref<16x2048xf32, #tpu.memory_space<vmem>>) dst(%dma_wait3A_628 : memref<16x2048xf32, #tpu.memory_space<hbm>>)
    return
  }
}

module attributes {stable_mosaic.version = 14 : i64} {
  func.func @_tc_body(%arg0: i32, %arg1: i32, %arg2: memref<192x4096xf32, #tpu.memory_space<vmem>>, %arg3: memref<8x16x2048xf32, #tpu.memory_space<vmem>>, %arg4: memref<1x1x128x2048xf32, #tpu.memory_space<vmem>>) attributes {dimension_semantics = [#tpu.dimension_semantics<arbitrary>, #tpu.dimension_semantics<arbitrary>], iteration_bounds = array<i64: 16, 16>, scalar_prefetch = 0 : i64, scratch_operands = 0 : i64, tpu.core_type = #tpu.core_type<tc>, window_params = [{pipeline_mode = #tpu.pipeline_mode<synchronous>, transform_indices = @transform_0, window_bounds = array<i64: 192, 4096>}, {transform_indices = @transform_1, window_bounds = array<i64: 8, 16, 2048>}, {transform_indices = @transform_2, window_bounds = array<i64: 1, 1, 128, 2048>}]} {
    %lt3A = arith.constant 14 : i32
    %lt3A_0 = arith.cmpi slt, %arg0, %lt3A : i32
    %convert_element_type3A = arith.extui %lt3A_0 : i1 to i32
    %cond3A = arith.constant 0 : i32
    %cond3A_1 = arith.cmpi ne, %convert_element_type3A, %cond3A : i32
    scf.if %cond3A_1 {
      %mul3A = arith.constant 128 : i32
      %mul3A_6 = arith.muli %mul3A, %arg0 : i32
      %mul3A_7 = arith.constant 8 : i32
      %mul3A_8 = arith.muli %mul3A_7, %arg1 : i32
      %add3A = arith.addi %mul3A_6, %mul3A_8 : i32
      %add3A_9 = arith.constant 0 : i32
      %add3A_10 = arith.addi %add3A, %add3A_9 : i32
      %sub3A = arith.constant 2047 : i32
      %sub3A_11 = arith.subi %sub3A, %add3A_10 : i32
      %mul3A_12 = arith.constant 16 : i32
      %mul3A_13 = arith.muli %sub3A_11, %mul3A_12 : i32
      %add3A_14 = arith.constant 0 : i32
      %add3A_15 = arith.addi %mul3A_13, %add3A_14 : i32
      %shift_right_arithmetic3A = arith.constant 11 : i32
      %shift_right_arithmetic3A_16 = arith.shrsi %add3A_15, %shift_right_arithmetic3A : i32
      %mul3A_17 = arith.constant 8 : i32
      %mul3A_18 = arith.muli %shift_right_arithmetic3A_16, %mul3A_17 : i32
      %and3A = arith.constant 2047 : i32
      %and3A_19 = arith.andi %add3A_15, %and3A : i32
      %multiple_of3A = tpu.assume_multiple %mul3A_18, 8 : i32
      %get3A = arith.index_cast %multiple_of3A : i32 to index
      %get3A_20 = arith.constant 0 : index
      %get3A_21 = vector.load %arg2[%get3A, %get3A_20] : memref<192x4096xf32, #tpu.memory_space<vmem>>, vector<8x4096xf32>
      %neg3A = arith.constant 0 : i32
      %neg3A_22 = arith.subi %neg3A, %and3A_19 : i32
      %roll3A = tpu.dynamic_rotate %get3A_21 by %neg3A_22 dim 1 : vector<8x4096xf32>, i32 -> vector<8x4096xf32>
      %slice3A = vector.extract_strided_slice %roll3A {offsets = [0, 0], sizes = [8, 2048], strides = [1, 1]} : vector<8x4096xf32> to vector<8x2048xf32>
      %swap3A = arith.constant 0 : index
      %swap3A_23 = arith.constant 0 : index
      %swap3A_24 = arith.constant 0 : index
      %swap3A_25 = arith.constant 0 : index
      %swap3A_26 = vector.load %arg4[%swap3A, %swap3A_23, %swap3A_24, %swap3A_25] : memref<1x1x128x2048xf32, #tpu.memory_space<vmem>>, vector<1x1x8x2048xf32>
      %swap3A_27 = vector.shape_cast %swap3A_26 : vector<1x1x8x2048xf32> to vector<8x2048xf32>
      %swap3A_28 = vector.shape_cast %slice3A : vector<8x2048xf32> to vector<1x1x8x2048xf32>
      tpu.vector_store %arg4[%swap3A, %swap3A_23, %swap3A_24, %swap3A_25], %swap3A_28 {strides = array<i32>} : memref<1x1x128x2048xf32, #tpu.memory_space<vmem>>, vector<1x1x8x2048xf32>,
      %mul3A_29 = arith.constant 128 : i32
      %mul3A_30 = arith.muli %mul3A_29, %arg0 : i32
      %mul3A_31 = arith.constant 8 : i32
      %mul3A_32 = arith.muli %mul3A_31, %arg1 : i32
      %add3A_33 = arith.addi %mul3A_30, %mul3A_32 : i32
      %add3A_34 = arith.constant 0 : i32
      %add3A_35 = arith.addi %add3A_33, %add3A_34 : i32
      %sub3A_36 = arith.constant 2047 : i32
      %sub3A_37 = arith.subi %sub3A_36, %add3A_35 : i32
      %mul3A_38 = arith.constant 16 : i32
      %mul3A_39 = arith.muli %sub3A_37, %mul3A_38 : i32
      %add3A_40 = arith.constant 16384 : i32
      %add3A_41 = arith.addi %mul3A_39, %add3A_40 : i32
      %shift_right_arithmetic3A_42 = arith.constant 11 : i32
      %shift_right_arithmetic3A_43 = arith.shrsi %add3A_41, %shift_right_arithmetic3A_42 : i32
      %mul3A_44 = arith.constant 8 : i32
      %mul3A_45 = arith.muli %shift_right_arithmetic3A_43, %mul3A_44 : i32
      %and3A_46 = arith.constant 2047 : i32
      %and3A_47 = arith.andi %add3A_41, %and3A_46 : i32
      %multiple_of3A_48 = tpu.assume_multiple %mul3A_45, 8 : i32
      %get3A_49 = arith.index_cast %multiple_of3A_48 : i32 to index
      %get3A_50 = arith.constant 0 : index
      %get3A_51 = vector.load %arg2[%get3A_49, %get3A_50] : memref<192x4096xf32, #tpu.memory_space<vmem>>, vector<8x4096xf32>
      %neg3A_52 = arith.constant 0 : i32
      %neg3A_53 = arith.subi %neg3A_52, %and3A_47 : i32
      %roll3A_54 = tpu.dynamic_rotate %get3A_51 by %neg3A_53 dim 1 : vector<8x4096xf32>, i32 -> vector<8x4096xf32>
      %slice3A_55 = vector.extract_strided_slice %roll3A_54 {offsets = [0, 0], sizes = [8, 2048], strides = [1, 1]} : vector<8x4096xf32> to vector<8x2048xf32>
      %swap3A_56 = arith.constant 0 : index
      %swap3A_57 = arith.constant 0 : index
      %swap3A_58 = arith.constant 8 : index
      %swap3A_59 = arith.constant 0 : index
      %swap3A_60 = vector.load %arg4[%swap3A_56, %swap3A_57, %swap3A_58, %swap3A_59] : memref<1x1x128x2048xf32, #tpu.memory_space<vmem>>, vector<1x1x8x2048xf32>
      %swap3A_61 = vector.shape_cast %swap3A_60 : vector<1x1x8x2048xf32> to vector<8x2048xf32>
      %swap3A_62 = vector.shape_cast %slice3A_55 : vector<8x2048xf32> to vector<1x1x8x2048xf32>
      tpu.vector_store %arg4[%swap3A_56, %swap3A_57, %swap3A_58, %swap3A_59], %swap3A_62 {strides = array<i32>} : memref<1x1x128x2048xf32, #tpu.memory_space<vmem>>, vector<1x1x8x2048xf32>,
      %mul3A_63 = arith.constant 128 : i32
      %mul3A_64 = arith.muli %mul3A_63, %arg0 : i32
      %mul3A_65 = arith.constant 8 : i32
      %mul3A_66 = arith.muli %mul3A_65, %arg1 : i32
      %add3A_67 = arith.addi %mul3A_64, %mul3A_66 : i32
      %add3A_68 = arith.constant 1 : i32
      %add3A_69 = arith.addi %add3A_67, %add3A_68 : i32
      %sub3A_70 = arith.constant 2047 : i32
      %sub3A_71 = arith.subi %sub3A_70, %add3A_69 : i32
      %mul3A_72 = arith.constant 16 : i32
      %mul3A_73 = arith.muli %sub3A_71, %mul3A_72 : i32
      %add3A_74 = arith.constant 0 : i32
      %add3A_75 = arith.addi %mul3A_73, %add3A_74 : i32
      %shift_right_arithmetic3A_76 = arith.constant 11 : i32
      %shift_right_arithmetic3A_77 = arith.shrsi %add3A_75, %shift_right_arithmetic3A_76 : i32
      %mul3A_78 = arith.constant 8 : i32
      %mul3A_79 = arith.muli %shift_right_arithmetic3A_77, %mul3A_78 : i32
      %and3A_80 = arith.constant 2047 : i32
      %and3A_81 = arith.andi %add3A_75, %and3A_80 : i32
      %multiple_of3A_82 = tpu.assume_multiple %mul3A_79, 8 : i32
      %get3A_83 = arith.index_cast %multiple_of3A_82 : i32 to index
      %get3A_84 = arith.constant 0 : index
      %get3A_85 = vector.load %arg2[%get3A_83, %get3A_84] : memref<192x4096xf32, #tpu.memory_space<vmem>>, vector<8x4096xf32>
      %neg3A_86 = arith.constant 0 : i32
      %neg3A_87 = arith.subi %neg3A_86, %and3A_81 : i32
      %roll3A_88 = tpu.dynamic_rotate %get3A_85 by %neg3A_87 dim 1 : vector<8x4096xf32>, i32 -> vector<8x4096xf32>
      %slice3A_89 = vector.extract_strided_slice %roll3A_88 {offsets = [0, 0], sizes = [8, 2048], strides = [1, 1]} : vector<8x4096xf32> to vector<8x2048xf32>
      %swap3A_90 = arith.constant 0 : index
      %swap3A_91 = arith.constant 0 : index
      %swap3A_92 = arith.constant 16 : index
      %swap3A_93 = arith.constant 0 : index
      %swap3A_94 = vector.load %arg4[%swap3A_90, %swap3A_91, %swap3A_92, %swap3A_93] : memref<1x1x128x2048xf32, #tpu.memory_space<vmem>>, vector<1x1x8x2048xf32>
      %swap3A_95 = vector.shape_cast %swap3A_94 : vector<1x1x8x2048xf32> to vector<8x2048xf32>
      %swap3A_96 = vector.shape_cast %slice3A_89 : vector<8x2048xf32> to vector<1x1x8x2048xf32>
      tpu.vector_store %arg4[%swap3A_90, %swap3A_91, %swap3A_92, %swap3A_93], %swap3A_96 {strides = array<i32>} : memref<1x1x128x2048xf32, #tpu.memory_space<vmem>>, vector<1x1x8x2048xf32>,
      %mul3A_97 = arith.constant 128 : i32
      %mul3A_98 = arith.muli %mul3A_97, %arg0 : i32
      %mul3A_99 = arith.constant 8 : i32
      %mul3A_100 = arith.muli %mul3A_99, %arg1 : i32
      %add3A_101 = arith.addi %mul3A_98, %mul3A_100 : i32
      %add3A_102 = arith.constant 1 : i32
      %add3A_103 = arith.addi %add3A_101, %add3A_102 : i32
      %sub3A_104 = arith.constant 2047 : i32
      %sub3A_105 = arith.subi %sub3A_104, %add3A_103 : i32
      %mul3A_106 = arith.constant 16 : i32
      %mul3A_107 = arith.muli %sub3A_105, %mul3A_106 : i32
      %add3A_108 = arith.constant 16384 : i32
      %add3A_109 = arith.addi %mul3A_107, %add3A_108 : i32
      %shift_right_arithmetic3A_110 = arith.constant 11 : i32
      %shift_right_arithmetic3A_111 = arith.shrsi %add3A_109, %shift_right_arithmetic3A_110 : i32
      %mul3A_112 = arith.constant 8 : i32
      %mul3A_113 = arith.muli %shift_right_arithmetic3A_111, %mul3A_112 : i32
      %and3A_114 = arith.constant 2047 : i32
      %and3A_115 = arith.andi %add3A_109, %and3A_114 : i32
      %multiple_of3A_116 = tpu.assume_multiple %mul3A_113, 8 : i32
      %get3A_117 = arith.index_cast %multiple_of3A_116 : i32 to index
      %get3A_118 = arith.constant 0 : index
      %get3A_119 = vector.load %arg2[%get3A_117, %get3A_118] : memref<192x4096xf32, #tpu.memory_space<vmem>>, vector<8x4096xf32>
      %neg3A_120 = arith.constant 0 : i32
      %neg3A_121 = arith.subi %neg3A_120, %and3A_115 : i32
      %roll3A_122 = tpu.dynamic_rotate %get3A_119 by %neg3A_121 dim 1 : vector<8x4096xf32>, i32 -> vector<8x4096xf32>
      %slice3A_123 = vector.extract_strided_slice %roll3A_122 {offsets = [0, 0], sizes = [8, 2048], strides = [1, 1]} : vector<8x4096xf32> to vector<8x2048xf32>
      %swap3A_124 = arith.constant 0 : index
      %swap3A_125 = arith.constant 0 : index
      %swap3A_126 = arith.constant 24 : index
      %swap3A_127 = arith.constant 0 : index
      %swap3A_128 = vector.load %arg4[%swap3A_124, %swap3A_125, %swap3A_126, %swap3A_127] : memref<1x1x128x2048xf32, #tpu.memory_space<vmem>>, vector<1x1x8x2048xf32>
      %swap3A_129 = vector.shape_cast %swap3A_128 : vector<1x1x8x2048xf32> to vector<8x2048xf32>
      %swap3A_130 = vector.shape_cast %slice3A_123 : vector<8x2048xf32> to vector<1x1x8x2048xf32>
      tpu.vector_store %arg4[%swap3A_124, %swap3A_125, %swap3A_126, %swap3A_127], %swap3A_130 {strides = array<i32>} : memref<1x1x128x2048xf32, #tpu.memory_space<vmem>>, vector<1x1x8x2048xf32>,
      %mul3A_131 = arith.constant 128 : i32
      %mul3A_132 = arith.muli %mul3A_131, %arg0 : i32
      %mul3A_133 = arith.constant 8 : i32
      %mul3A_134 = arith.muli %mul3A_133, %arg1 : i32
      %add3A_135 = arith.addi %mul3A_132, %mul3A_134 : i32
      %add3A_136 = arith.constant 2 : i32
      %add3A_137 = arith.addi %add3A_135, %add3A_136 : i32
      %sub3A_138 = arith.constant 2047 : i32
      %sub3A_139 = arith.subi %sub3A_138, %add3A_137 : i32
      %mul3A_140 = arith.constant 16 : i32
      %mul3A_141 = arith.muli %sub3A_139, %mul3A_140 : i32
      %add3A_142 = arith.constant 0 : i32
      %add3A_143 = arith.addi %mul3A_141, %add3A_142 : i32
      %shift_right_arithmetic3A_144 = arith.constant 11 : i32
      %shift_right_arithmetic3A_145 = arith.shrsi %add3A_143, %shift_right_arithmetic3A_144 : i32
      %mul3A_146 = arith.constant 8 : i32
      %mul3A_147 = arith.muli %shift_right_arithmetic3A_145, %mul3A_146 : i32
      %and3A_148 = arith.constant 2047 : i32
      %and3A_149 = arith.andi %add3A_143, %and3A_148 : i32
      %multiple_of3A_150 = tpu.assume_multiple %mul3A_147, 8 : i32
      %get3A_151 = arith.index_cast %multiple_of3A_150 : i32 to index
      %get3A_152 = arith.constant 0 : index
      %get3A_153 = vector.load %arg2[%get3A_151, %get3A_152] : memref<192x4096xf32, #tpu.memory_space<vmem>>, vector<8x4096xf32>
      %neg3A_154 = arith.constant 0 : i32
      %neg3A_155 = arith.subi %neg3A_154, %and3A_149 : i32
      %roll3A_156 = tpu.dynamic_rotate %get3A_153 by %neg3A_155 dim 1 : vector<8x4096xf32>, i32 -> vector<8x4096xf32>
      %slice3A_157 = vector.extract_strided_slice %roll3A_156 {offsets = [0, 0], sizes = [8, 2048], strides = [1, 1]} : vector<8x4096xf32> to vector<8x2048xf32>
      %swap3A_158 = arith.constant 0 : index
      %swap3A_159 = arith.constant 0 : index
      %swap3A_160 = arith.constant 32 : index
      %swap3A_161 = arith.constant 0 : index
      %swap3A_162 = vector.load %arg4[%swap3A_158, %swap3A_159, %swap3A_160, %swap3A_161] : memref<1x1x128x2048xf32, #tpu.memory_space<vmem>>, vector<1x1x8x2048xf32>
      %swap3A_163 = vector.shape_cast %swap3A_162 : vector<1x1x8x2048xf32> to vector<8x2048xf32>
      %swap3A_164 = vector.shape_cast %slice3A_157 : vector<8x2048xf32> to vector<1x1x8x2048xf32>
      tpu.vector_store %arg4[%swap3A_158, %swap3A_159, %swap3A_160, %swap3A_161], %swap3A_164 {strides = array<i32>} : memref<1x1x128x2048xf32, #tpu.memory_space<vmem>>, vector<1x1x8x2048xf32>,
      %mul3A_165 = arith.constant 128 : i32
      %mul3A_166 = arith.muli %mul3A_165, %arg0 : i32
      %mul3A_167 = arith.constant 8 : i32
      %mul3A_168 = arith.muli %mul3A_167, %arg1 : i32
      %add3A_169 = arith.addi %mul3A_166, %mul3A_168 : i32
      %add3A_170 = arith.constant 2 : i32
      %add3A_171 = arith.addi %add3A_169, %add3A_170 : i32
      %sub3A_172 = arith.constant 2047 : i32
      %sub3A_173 = arith.subi %sub3A_172, %add3A_171 : i32
      %mul3A_174 = arith.constant 16 : i32
      %mul3A_175 = arith.muli %sub3A_173, %mul3A_174 : i32
      %add3A_176 = arith.constant 16384 : i32
      %add3A_177 = arith.addi %mul3A_175, %add3A_176 : i32
      %shift_right_arithmetic3A_178 = arith.constant 11 : i32
      %shift_right_arithmetic3A_179 = arith.shrsi %add3A_177, %shift_right_arithmetic3A_178 : i32
      %mul3A_180 = arith.constant 8 : i32
      %mul3A_181 = arith.muli %shift_right_arithmetic3A_179, %mul3A_180 : i32
      %and3A_182 = arith.constant 2047 : i32
      %and3A_183 = arith.andi %add3A_177, %and3A_182 : i32
      %multiple_of3A_184 = tpu.assume_multiple %mul3A_181, 8 : i32
      %get3A_185 = arith.index_cast %multiple_of3A_184 : i32 to index
      %get3A_186 = arith.constant 0 : index
      %get3A_187 = vector.load %arg2[%get3A_185, %get3A_186] : memref<192x4096xf32, #tpu.memory_space<vmem>>, vector<8x4096xf32>
      %neg3A_188 = arith.constant 0 : i32
      %neg3A_189 = arith.subi %neg3A_188, %and3A_183 : i32
      %roll3A_190 = tpu.dynamic_rotate %get3A_187 by %neg3A_189 dim 1 : vector<8x4096xf32>, i32 -> vector<8x4096xf32>
      %slice3A_191 = vector.extract_strided_slice %roll3A_190 {offsets = [0, 0], sizes = [8, 2048], strides = [1, 1]} : vector<8x4096xf32> to vector<8x2048xf32>
      %swap3A_192 = arith.constant 0 : index
      %swap3A_193 = arith.constant 0 : index
      %swap3A_194 = arith.constant 40 : index
      %swap3A_195 = arith.constant 0 : index
      %swap3A_196 = vector.load %arg4[%swap3A_192, %swap3A_193, %swap3A_194, %swap3A_195] : memref<1x1x128x2048xf32, #tpu.memory_space<vmem>>, vector<1x1x8x2048xf32>
      %swap3A_197 = vector.shape_cast %swap3A_196 : vector<1x1x8x2048xf32> to vector<8x2048xf32>
      %swap3A_198 = vector.shape_cast %slice3A_191 : vector<8x2048xf32> to vector<1x1x8x2048xf32>
      tpu.vector_store %arg4[%swap3A_192, %swap3A_193, %swap3A_194, %swap3A_195], %swap3A_198 {strides = array<i32>} : memref<1x1x128x2048xf32, #tpu.memory_space<vmem>>, vector<1x1x8x2048xf32>,
      %mul3A_199 = arith.constant 128 : i32
      %mul3A_200 = arith.muli %mul3A_199, %arg0 : i32
      %mul3A_201 = arith.constant 8 : i32
      %mul3A_202 = arith.muli %mul3A_201, %arg1 : i32
      %add3A_203 = arith.addi %mul3A_200, %mul3A_202 : i32
      %add3A_204 = arith.constant 3 : i32
      %add3A_205 = arith.addi %add3A_203, %add3A_204 : i32
      %sub3A_206 = arith.constant 2047 : i32
      %sub3A_207 = arith.subi %sub3A_206, %add3A_205 : i32
      %mul3A_208 = arith.constant 16 : i32
      %mul3A_209 = arith.muli %sub3A_207, %mul3A_208 : i32
      %add3A_210 = arith.constant 0 : i32
      %add3A_211 = arith.addi %mul3A_209, %add3A_210 : i32
      %shift_right_arithmetic3A_212 = arith.constant 11 : i32
      %shift_right_arithmetic3A_213 = arith.shrsi %add3A_211, %shift_right_arithmetic3A_212 : i32
      %mul3A_214 = arith.constant 8 : i32
      %mul3A_215 = arith.muli %shift_right_arithmetic3A_213, %mul3A_214 : i32
      %and3A_216 = arith.constant 2047 : i32
      %and3A_217 = arith.andi %add3A_211, %and3A_216 : i32
      %multiple_of3A_218 = tpu.assume_multiple %mul3A_215, 8 : i32
      %get3A_219 = arith.index_cast %multiple_of3A_218 : i32 to index
      %get3A_220 = arith.constant 0 : index
      %get3A_221 = vector.load %arg2[%get3A_219, %get3A_220] : memref<192x4096xf32, #tpu.memory_space<vmem>>, vector<8x4096xf32>
      %neg3A_222 = arith.constant 0 : i32
      %neg3A_223 = arith.subi %neg3A_222, %and3A_217 : i32
      %roll3A_224 = tpu.dynamic_rotate %get3A_221 by %neg3A_223 dim 1 : vector<8x4096xf32>, i32 -> vector<8x4096xf32>
      %slice3A_225 = vector.extract_strided_slice %roll3A_224 {offsets = [0, 0], sizes = [8, 2048], strides = [1, 1]} : vector<8x4096xf32> to vector<8x2048xf32>
      %swap3A_226 = arith.constant 0 : index
      %swap3A_227 = arith.constant 0 : index
      %swap3A_228 = arith.constant 48 : index
      %swap3A_229 = arith.constant 0 : index
      %swap3A_230 = vector.load %arg4[%swap3A_226, %swap3A_227, %swap3A_228, %swap3A_229] : memref<1x1x128x2048xf32, #tpu.memory_space<vmem>>, vector<1x1x8x2048xf32>
      %swap3A_231 = vector.shape_cast %swap3A_230 : vector<1x1x8x2048xf32> to vector<8x2048xf32>
      %swap3A_232 = vector.shape_cast %slice3A_225 : vector<8x2048xf32> to vector<1x1x8x2048xf32>
      tpu.vector_store %arg4[%swap3A_226, %swap3A_227, %swap3A_228, %swap3A_229], %swap3A_232 {strides = array<i32>} : memref<1x1x128x2048xf32, #tpu.memory_space<vmem>>, vector<1x1x8x2048xf32>,
      %mul3A_233 = arith.constant 128 : i32
      %mul3A_234 = arith.muli %mul3A_233, %arg0 : i32
      %mul3A_235 = arith.constant 8 : i32
      %mul3A_236 = arith.muli %mul3A_235, %arg1 : i32
      %add3A_237 = arith.addi %mul3A_234, %mul3A_236 : i32
      %add3A_238 = arith.constant 3 : i32
      %add3A_239 = arith.addi %add3A_237, %add3A_238 : i32
      %sub3A_240 = arith.constant 2047 : i32
      %sub3A_241 = arith.subi %sub3A_240, %add3A_239 : i32
      %mul3A_242 = arith.constant 16 : i32
      %mul3A_243 = arith.muli %sub3A_241, %mul3A_242 : i32
      %add3A_244 = arith.constant 16384 : i32
      %add3A_245 = arith.addi %mul3A_243, %add3A_244 : i32
      %shift_right_arithmetic3A_246 = arith.constant 11 : i32
      %shift_right_arithmetic3A_247 = arith.shrsi %add3A_245, %shift_right_arithmetic3A_246 : i32
      %mul3A_248 = arith.constant 8 : i32
      %mul3A_249 = arith.muli %shift_right_arithmetic3A_247, %mul3A_248 : i32
      %and3A_250 = arith.constant 2047 : i32
      %and3A_251 = arith.andi %add3A_245, %and3A_250 : i32
      %multiple_of3A_252 = tpu.assume_multiple %mul3A_249, 8 : i32
      %get3A_253 = arith.index_cast %multiple_of3A_252 : i32 to index
      %get3A_254 = arith.constant 0 : index
      %get3A_255 = vector.load %arg2[%get3A_253, %get3A_254] : memref<192x4096xf32, #tpu.memory_space<vmem>>, vector<8x4096xf32>
      %neg3A_256 = arith.constant 0 : i32
      %neg3A_257 = arith.subi %neg3A_256, %and3A_251 : i32
      %roll3A_258 = tpu.dynamic_rotate %get3A_255 by %neg3A_257 dim 1 : vector<8x4096xf32>, i32 -> vector<8x4096xf32>
      %slice3A_259 = vector.extract_strided_slice %roll3A_258 {offsets = [0, 0], sizes = [8, 2048], strides = [1, 1]} : vector<8x4096xf32> to vector<8x2048xf32>
      %swap3A_260 = arith.constant 0 : index
      %swap3A_261 = arith.constant 0 : index
      %swap3A_262 = arith.constant 56 : index
      %swap3A_263 = arith.constant 0 : index
      %swap3A_264 = vector.load %arg4[%swap3A_260, %swap3A_261, %swap3A_262, %swap3A_263] : memref<1x1x128x2048xf32, #tpu.memory_space<vmem>>, vector<1x1x8x2048xf32>
      %swap3A_265 = vector.shape_cast %swap3A_264 : vector<1x1x8x2048xf32> to vector<8x2048xf32>
      %swap3A_266 = vector.shape_cast %slice3A_259 : vector<8x2048xf32> to vector<1x1x8x2048xf32>
      tpu.vector_store %arg4[%swap3A_260, %swap3A_261, %swap3A_262, %swap3A_263], %swap3A_266 {strides = array<i32>} : memref<1x1x128x2048xf32, #tpu.memory_space<vmem>>, vector<1x1x8x2048xf32>,
      %mul3A_267 = arith.constant 128 : i32
      %mul3A_268 = arith.muli %mul3A_267, %arg0 : i32
      %mul3A_269 = arith.constant 8 : i32
      %mul3A_270 = arith.muli %mul3A_269, %arg1 : i32
      %add3A_271 = arith.addi %mul3A_268, %mul3A_270 : i32
      %add3A_272 = arith.constant 4 : i32
      %add3A_273 = arith.addi %add3A_271, %add3A_272 : i32
      %sub3A_274 = arith.constant 2047 : i32
      %sub3A_275 = arith.subi %sub3A_274, %add3A_273 : i32
      %mul3A_276 = arith.constant 16 : i32
      %mul3A_277 = arith.muli %sub3A_275, %mul3A_276 : i32
      %add3A_278 = arith.constant 0 : i32
      %add3A_279 = arith.addi %mul3A_277, %add3A_278 : i32
      %shift_right_arithmetic3A_280 = arith.constant 11 : i32
      %shift_right_arithmetic3A_281 = arith.shrsi %add3A_279, %shift_right_arithmetic3A_280 : i32
      %mul3A_282 = arith.constant 8 : i32
      %mul3A_283 = arith.muli %shift_right_arithmetic3A_281, %mul3A_282 : i32
      %and3A_284 = arith.constant 2047 : i32
      %and3A_285 = arith.andi %add3A_279, %and3A_284 : i32
      %multiple_of3A_286 = tpu.assume_multiple %mul3A_283, 8 : i32
      %get3A_287 = arith.index_cast %multiple_of3A_286 : i32 to index
      %get3A_288 = arith.constant 0 : index
      %get3A_289 = vector.load %arg2[%get3A_287, %get3A_288] : memref<192x4096xf32, #tpu.memory_space<vmem>>, vector<8x4096xf32>
      %neg3A_290 = arith.constant 0 : i32
      %neg3A_291 = arith.subi %neg3A_290, %and3A_285 : i32
      %roll3A_292 = tpu.dynamic_rotate %get3A_289 by %neg3A_291 dim 1 : vector<8x4096xf32>, i32 -> vector<8x4096xf32>
      %slice3A_293 = vector.extract_strided_slice %roll3A_292 {offsets = [0, 0], sizes = [8, 2048], strides = [1, 1]} : vector<8x4096xf32> to vector<8x2048xf32>
      %swap3A_294 = arith.constant 0 : index
      %swap3A_295 = arith.constant 0 : index
      %swap3A_296 = arith.constant 64 : index
      %swap3A_297 = arith.constant 0 : index
      %swap3A_298 = vector.load %arg4[%swap3A_294, %swap3A_295, %swap3A_296, %swap3A_297] : memref<1x1x128x2048xf32, #tpu.memory_space<vmem>>, vector<1x1x8x2048xf32>
      %swap3A_299 = vector.shape_cast %swap3A_298 : vector<1x1x8x2048xf32> to vector<8x2048xf32>
      %swap3A_300 = vector.shape_cast %slice3A_293 : vector<8x2048xf32> to vector<1x1x8x2048xf32>
      tpu.vector_store %arg4[%swap3A_294, %swap3A_295, %swap3A_296, %swap3A_297], %swap3A_300 {strides = array<i32>} : memref<1x1x128x2048xf32, #tpu.memory_space<vmem>>, vector<1x1x8x2048xf32>,
      %mul3A_301 = arith.constant 128 : i32
      %mul3A_302 = arith.muli %mul3A_301, %arg0 : i32
      %mul3A_303 = arith.constant 8 : i32
      %mul3A_304 = arith.muli %mul3A_303, %arg1 : i32
      %add3A_305 = arith.addi %mul3A_302, %mul3A_304 : i32
      %add3A_306 = arith.constant 4 : i32
      %add3A_307 = arith.addi %add3A_305, %add3A_306 : i32
      %sub3A_308 = arith.constant 2047 : i32
      %sub3A_309 = arith.subi %sub3A_308, %add3A_307 : i32
      %mul3A_310 = arith.constant 16 : i32
      %mul3A_311 = arith.muli %sub3A_309, %mul3A_310 : i32
      %add3A_312 = arith.constant 16384 : i32
      %add3A_313 = arith.addi %mul3A_311, %add3A_312 : i32
      %shift_right_arithmetic3A_314 = arith.constant 11 : i32
      %shift_right_arithmetic3A_315 = arith.shrsi %add3A_313, %shift_right_arithmetic3A_314 : i32
      %mul3A_316 = arith.constant 8 : i32
      %mul3A_317 = arith.muli %shift_right_arithmetic3A_315, %mul3A_316 : i32
      %and3A_318 = arith.constant 2047 : i32
      %and3A_319 = arith.andi %add3A_313, %and3A_318 : i32
      %multiple_of3A_320 = tpu.assume_multiple %mul3A_317, 8 : i32
      %get3A_321 = arith.index_cast %multiple_of3A_320 : i32 to index
      %get3A_322 = arith.constant 0 : index
      %get3A_323 = vector.load %arg2[%get3A_321, %get3A_322] : memref<192x4096xf32, #tpu.memory_space<vmem>>, vector<8x4096xf32>
      %neg3A_324 = arith.constant 0 : i32
      %neg3A_325 = arith.subi %neg3A_324, %and3A_319 : i32
      %roll3A_326 = tpu.dynamic_rotate %get3A_323 by %neg3A_325 dim 1 : vector<8x4096xf32>, i32 -> vector<8x4096xf32>
      %slice3A_327 = vector.extract_strided_slice %roll3A_326 {offsets = [0, 0], sizes = [8, 2048], strides = [1, 1]} : vector<8x4096xf32> to vector<8x2048xf32>
      %swap3A_328 = arith.constant 0 : index
      %swap3A_329 = arith.constant 0 : index
      %swap3A_330 = arith.constant 72 : index
      %swap3A_331 = arith.constant 0 : index
      %swap3A_332 = vector.load %arg4[%swap3A_328, %swap3A_329, %swap3A_330, %swap3A_331] : memref<1x1x128x2048xf32, #tpu.memory_space<vmem>>, vector<1x1x8x2048xf32>
      %swap3A_333 = vector.shape_cast %swap3A_332 : vector<1x1x8x2048xf32> to vector<8x2048xf32>
      %swap3A_334 = vector.shape_cast %slice3A_327 : vector<8x2048xf32> to vector<1x1x8x2048xf32>
      tpu.vector_store %arg4[%swap3A_328, %swap3A_329, %swap3A_330, %swap3A_331], %swap3A_334 {strides = array<i32>} : memref<1x1x128x2048xf32, #tpu.memory_space<vmem>>, vector<1x1x8x2048xf32>,
      %mul3A_335 = arith.constant 128 : i32
      %mul3A_336 = arith.muli %mul3A_335, %arg0 : i32
      %mul3A_337 = arith.constant 8 : i32
      %mul3A_338 = arith.muli %mul3A_337, %arg1 : i32
      %add3A_339 = arith.addi %mul3A_336, %mul3A_338 : i32
      %add3A_340 = arith.constant 5 : i32
      %add3A_341 = arith.addi %add3A_339, %add3A_340 : i32
      %sub3A_342 = arith.constant 2047 : i32
      %sub3A_343 = arith.subi %sub3A_342, %add3A_341 : i32
      %mul3A_344 = arith.constant 16 : i32
      %mul3A_345 = arith.muli %sub3A_343, %mul3A_344 : i32
      %add3A_346 = arith.constant 0 : i32
      %add3A_347 = arith.addi %mul3A_345, %add3A_346 : i32
      %shift_right_arithmetic3A_348 = arith.constant 11 : i32
      %shift_right_arithmetic3A_349 = arith.shrsi %add3A_347, %shift_right_arithmetic3A_348 : i32
      %mul3A_350 = arith.constant 8 : i32
      %mul3A_351 = arith.muli %shift_right_arithmetic3A_349, %mul3A_350 : i32
      %and3A_352 = arith.constant 2047 : i32
      %and3A_353 = arith.andi %add3A_347, %and3A_352 : i32
      %multiple_of3A_354 = tpu.assume_multiple %mul3A_351, 8 : i32
      %get3A_355 = arith.index_cast %multiple_of3A_354 : i32 to index
      %get3A_356 = arith.constant 0 : index
      %get3A_357 = vector.load %arg2[%get3A_355, %get3A_356] : memref<192x4096xf32, #tpu.memory_space<vmem>>, vector<8x4096xf32>
      %neg3A_358 = arith.constant 0 : i32
      %neg3A_359 = arith.subi %neg3A_358, %and3A_353 : i32
      %roll3A_360 = tpu.dynamic_rotate %get3A_357 by %neg3A_359 dim 1 : vector<8x4096xf32>, i32 -> vector<8x4096xf32>
      %slice3A_361 = vector.extract_strided_slice %roll3A_360 {offsets = [0, 0], sizes = [8, 2048], strides = [1, 1]} : vector<8x4096xf32> to vector<8x2048xf32>
      %swap3A_362 = arith.constant 0 : index
      %swap3A_363 = arith.constant 0 : index
      %swap3A_364 = arith.constant 80 : index
      %swap3A_365 = arith.constant 0 : index
      %swap3A_366 = vector.load %arg4[%swap3A_362, %swap3A_363, %swap3A_364, %swap3A_365] : memref<1x1x128x2048xf32, #tpu.memory_space<vmem>>, vector<1x1x8x2048xf32>
      %swap3A_367 = vector.shape_cast %swap3A_366 : vector<1x1x8x2048xf32> to vector<8x2048xf32>
      %swap3A_368 = vector.shape_cast %slice3A_361 : vector<8x2048xf32> to vector<1x1x8x2048xf32>
      tpu.vector_store %arg4[%swap3A_362, %swap3A_363, %swap3A_364, %swap3A_365], %swap3A_368 {strides = array<i32>} : memref<1x1x128x2048xf32, #tpu.memory_space<vmem>>, vector<1x1x8x2048xf32>,
      %mul3A_369 = arith.constant 128 : i32
      %mul3A_370 = arith.muli %mul3A_369, %arg0 : i32
      %mul3A_371 = arith.constant 8 : i32
      %mul3A_372 = arith.muli %mul3A_371, %arg1 : i32
      %add3A_373 = arith.addi %mul3A_370, %mul3A_372 : i32
      %add3A_374 = arith.constant 5 : i32
      %add3A_375 = arith.addi %add3A_373, %add3A_374 : i32
      %sub3A_376 = arith.constant 2047 : i32
      %sub3A_377 = arith.subi %sub3A_376, %add3A_375 : i32
      %mul3A_378 = arith.constant 16 : i32
      %mul3A_379 = arith.muli %sub3A_377, %mul3A_378 : i32
      %add3A_380 = arith.constant 16384 : i32
      %add3A_381 = arith.addi %mul3A_379, %add3A_380 : i32
      %shift_right_arithmetic3A_382 = arith.constant 11 : i32
      %shift_right_arithmetic3A_383 = arith.shrsi %add3A_381, %shift_right_arithmetic3A_382 : i32
      %mul3A_384 = arith.constant 8 : i32
      %mul3A_385 = arith.muli %shift_right_arithmetic3A_383, %mul3A_384 : i32
      %and3A_386 = arith.constant 2047 : i32
      %and3A_387 = arith.andi %add3A_381, %and3A_386 : i32
      %multiple_of3A_388 = tpu.assume_multiple %mul3A_385, 8 : i32
      %get3A_389 = arith.index_cast %multiple_of3A_388 : i32 to index
      %get3A_390 = arith.constant 0 : index
      %get3A_391 = vector.load %arg2[%get3A_389, %get3A_390] : memref<192x4096xf32, #tpu.memory_space<vmem>>, vector<8x4096xf32>
      %neg3A_392 = arith.constant 0 : i32
      %neg3A_393 = arith.subi %neg3A_392, %and3A_387 : i32
      %roll3A_394 = tpu.dynamic_rotate %get3A_391 by %neg3A_393 dim 1 : vector<8x4096xf32>, i32 -> vector<8x4096xf32>
      %slice3A_395 = vector.extract_strided_slice %roll3A_394 {offsets = [0, 0], sizes = [8, 2048], strides = [1, 1]} : vector<8x4096xf32> to vector<8x2048xf32>
      %swap3A_396 = arith.constant 0 : index
      %swap3A_397 = arith.constant 0 : index
      %swap3A_398 = arith.constant 88 : index
      %swap3A_399 = arith.constant 0 : index
      %swap3A_400 = vector.load %arg4[%swap3A_396, %swap3A_397, %swap3A_398, %swap3A_399] : memref<1x1x128x2048xf32, #tpu.memory_space<vmem>>, vector<1x1x8x2048xf32>
      %swap3A_401 = vector.shape_cast %swap3A_400 : vector<1x1x8x2048xf32> to vector<8x2048xf32>
      %swap3A_402 = vector.shape_cast %slice3A_395 : vector<8x2048xf32> to vector<1x1x8x2048xf32>
      tpu.vector_store %arg4[%swap3A_396, %swap3A_397, %swap3A_398, %swap3A_399], %swap3A_402 {strides = array<i32>} : memref<1x1x128x2048xf32, #tpu.memory_space<vmem>>, vector<1x1x8x2048xf32>,
      %mul3A_403 = arith.constant 128 : i32
      %mul3A_404 = arith.muli %mul3A_403, %arg0 : i32
      %mul3A_405 = arith.constant 8 : i32
      %mul3A_406 = arith.muli %mul3A_405, %arg1 : i32
      %add3A_407 = arith.addi %mul3A_404, %mul3A_406 : i32
      %add3A_408 = arith.constant 6 : i32
      %add3A_409 = arith.addi %add3A_407, %add3A_408 : i32
      %sub3A_410 = arith.constant 2047 : i32
      %sub3A_411 = arith.subi %sub3A_410, %add3A_409 : i32
      %mul3A_412 = arith.constant 16 : i32
      %mul3A_413 = arith.muli %sub3A_411, %mul3A_412 : i32
      %add3A_414 = arith.constant 0 : i32
      %add3A_415 = arith.addi %mul3A_413, %add3A_414 : i32
      %shift_right_arithmetic3A_416 = arith.constant 11 : i32
      %shift_right_arithmetic3A_417 = arith.shrsi %add3A_415, %shift_right_arithmetic3A_416 : i32
      %mul3A_418 = arith.constant 8 : i32
      %mul3A_419 = arith.muli %shift_right_arithmetic3A_417, %mul3A_418 : i32
      %and3A_420 = arith.constant 2047 : i32
      %and3A_421 = arith.andi %add3A_415, %and3A_420 : i32
      %multiple_of3A_422 = tpu.assume_multiple %mul3A_419, 8 : i32
      %get3A_423 = arith.index_cast %multiple_of3A_422 : i32 to index
      %get3A_424 = arith.constant 0 : index
      %get3A_425 = vector.load %arg2[%get3A_423, %get3A_424] : memref<192x4096xf32, #tpu.memory_space<vmem>>, vector<8x4096xf32>
      %neg3A_426 = arith.constant 0 : i32
      %neg3A_427 = arith.subi %neg3A_426, %and3A_421 : i32
      %roll3A_428 = tpu.dynamic_rotate %get3A_425 by %neg3A_427 dim 1 : vector<8x4096xf32>, i32 -> vector<8x4096xf32>
      %slice3A_429 = vector.extract_strided_slice %roll3A_428 {offsets = [0, 0], sizes = [8, 2048], strides = [1, 1]} : vector<8x4096xf32> to vector<8x2048xf32>
      %swap3A_430 = arith.constant 0 : index
      %swap3A_431 = arith.constant 0 : index
      %swap3A_432 = arith.constant 96 : index
      %swap3A_433 = arith.constant 0 : index
      %swap3A_434 = vector.load %arg4[%swap3A_430, %swap3A_431, %swap3A_432, %swap3A_433] : memref<1x1x128x2048xf32, #tpu.memory_space<vmem>>, vector<1x1x8x2048xf32>
      %swap3A_435 = vector.shape_cast %swap3A_434 : vector<1x1x8x2048xf32> to vector<8x2048xf32>
      %swap3A_436 = vector.shape_cast %slice3A_429 : vector<8x2048xf32> to vector<1x1x8x2048xf32>
      tpu.vector_store %arg4[%swap3A_430, %swap3A_431, %swap3A_432, %swap3A_433], %swap3A_436 {strides = array<i32>} : memref<1x1x128x2048xf32, #tpu.memory_space<vmem>>, vector<1x1x8x2048xf32>,
      %mul3A_437 = arith.constant 128 : i32
      %mul3A_438 = arith.muli %mul3A_437, %arg0 : i32
      %mul3A_439 = arith.constant 8 : i32
      %mul3A_440 = arith.muli %mul3A_439, %arg1 : i32
      %add3A_441 = arith.addi %mul3A_438, %mul3A_440 : i32
      %add3A_442 = arith.constant 6 : i32
      %add3A_443 = arith.addi %add3A_441, %add3A_442 : i32
      %sub3A_444 = arith.constant 2047 : i32
      %sub3A_445 = arith.subi %sub3A_444, %add3A_443 : i32
      %mul3A_446 = arith.constant 16 : i32
      %mul3A_447 = arith.muli %sub3A_445, %mul3A_446 : i32
      %add3A_448 = arith.constant 16384 : i32
      %add3A_449 = arith.addi %mul3A_447, %add3A_448 : i32
      %shift_right_arithmetic3A_450 = arith.constant 11 : i32
      %shift_right_arithmetic3A_451 = arith.shrsi %add3A_449, %shift_right_arithmetic3A_450 : i32
      %mul3A_452 = arith.constant 8 : i32
      %mul3A_453 = arith.muli %shift_right_arithmetic3A_451, %mul3A_452 : i32
      %and3A_454 = arith.constant 2047 : i32
      %and3A_455 = arith.andi %add3A_449, %and3A_454 : i32
      %multiple_of3A_456 = tpu.assume_multiple %mul3A_453, 8 : i32
      %get3A_457 = arith.index_cast %multiple_of3A_456 : i32 to index
      %get3A_458 = arith.constant 0 : index
      %get3A_459 = vector.load %arg2[%get3A_457, %get3A_458] : memref<192x4096xf32, #tpu.memory_space<vmem>>, vector<8x4096xf32>
      %neg3A_460 = arith.constant 0 : i32
      %neg3A_461 = arith.subi %neg3A_460, %and3A_455 : i32
      %roll3A_462 = tpu.dynamic_rotate %get3A_459 by %neg3A_461 dim 1 : vector<8x4096xf32>, i32 -> vector<8x4096xf32>
      %slice3A_463 = vector.extract_strided_slice %roll3A_462 {offsets = [0, 0], sizes = [8, 2048], strides = [1, 1]} : vector<8x4096xf32> to vector<8x2048xf32>
      %swap3A_464 = arith.constant 0 : index
      %swap3A_465 = arith.constant 0 : index
      %swap3A_466 = arith.constant 104 : index
      %swap3A_467 = arith.constant 0 : index
      %swap3A_468 = vector.load %arg4[%swap3A_464, %swap3A_465, %swap3A_466, %swap3A_467] : memref<1x1x128x2048xf32, #tpu.memory_space<vmem>>, vector<1x1x8x2048xf32>
      %swap3A_469 = vector.shape_cast %swap3A_468 : vector<1x1x8x2048xf32> to vector<8x2048xf32>
      %swap3A_470 = vector.shape_cast %slice3A_463 : vector<8x2048xf32> to vector<1x1x8x2048xf32>
      tpu.vector_store %arg4[%swap3A_464, %swap3A_465, %swap3A_466, %swap3A_467], %swap3A_470 {strides = array<i32>} : memref<1x1x128x2048xf32, #tpu.memory_space<vmem>>, vector<1x1x8x2048xf32>,
      %mul3A_471 = arith.constant 128 : i32
      %mul3A_472 = arith.muli %mul3A_471, %arg0 : i32
      %mul3A_473 = arith.constant 8 : i32
      %mul3A_474 = arith.muli %mul3A_473, %arg1 : i32
      %add3A_475 = arith.addi %mul3A_472, %mul3A_474 : i32
      %add3A_476 = arith.constant 7 : i32
      %add3A_477 = arith.addi %add3A_475, %add3A_476 : i32
      %sub3A_478 = arith.constant 2047 : i32
      %sub3A_479 = arith.subi %sub3A_478, %add3A_477 : i32
      %mul3A_480 = arith.constant 16 : i32
      %mul3A_481 = arith.muli %sub3A_479, %mul3A_480 : i32
      %add3A_482 = arith.constant 0 : i32
      %add3A_483 = arith.addi %mul3A_481, %add3A_482 : i32
      %shift_right_arithmetic3A_484 = arith.constant 11 : i32
      %shift_right_arithmetic3A_485 = arith.shrsi %add3A_483, %shift_right_arithmetic3A_484 : i32
      %mul3A_486 = arith.constant 8 : i32
      %mul3A_487 = arith.muli %shift_right_arithmetic3A_485, %mul3A_486 : i32
      %and3A_488 = arith.constant 2047 : i32
      %and3A_489 = arith.andi %add3A_483, %and3A_488 : i32
      %multiple_of3A_490 = tpu.assume_multiple %mul3A_487, 8 : i32
      %get3A_491 = arith.index_cast %multiple_of3A_490 : i32 to index
      %get3A_492 = arith.constant 0 : index
      %get3A_493 = vector.load %arg2[%get3A_491, %get3A_492] : memref<192x4096xf32, #tpu.memory_space<vmem>>, vector<8x4096xf32>
      %neg3A_494 = arith.constant 0 : i32
      %neg3A_495 = arith.subi %neg3A_494, %and3A_489 : i32
      %roll3A_496 = tpu.dynamic_rotate %get3A_493 by %neg3A_495 dim 1 : vector<8x4096xf32>, i32 -> vector<8x4096xf32>
      %slice3A_497 = vector.extract_strided_slice %roll3A_496 {offsets = [0, 0], sizes = [8, 2048], strides = [1, 1]} : vector<8x4096xf32> to vector<8x2048xf32>
      %swap3A_498 = arith.constant 0 : index
      %swap3A_499 = arith.constant 0 : index
      %swap3A_500 = arith.constant 112 : index
      %swap3A_501 = arith.constant 0 : index
      %swap3A_502 = vector.load %arg4[%swap3A_498, %swap3A_499, %swap3A_500, %swap3A_501] : memref<1x1x128x2048xf32, #tpu.memory_space<vmem>>, vector<1x1x8x2048xf32>
      %swap3A_503 = vector.shape_cast %swap3A_502 : vector<1x1x8x2048xf32> to vector<8x2048xf32>
      %swap3A_504 = vector.shape_cast %slice3A_497 : vector<8x2048xf32> to vector<1x1x8x2048xf32>
      tpu.vector_store %arg4[%swap3A_498, %swap3A_499, %swap3A_500, %swap3A_501], %swap3A_504 {strides = array<i32>} : memref<1x1x128x2048xf32, #tpu.memory_space<vmem>>, vector<1x1x8x2048xf32>,
      %mul3A_505 = arith.constant 128 : i32
      %mul3A_506 = arith.muli %mul3A_505, %arg0 : i32
      %mul3A_507 = arith.constant 8 : i32
      %mul3A_508 = arith.muli %mul3A_507, %arg1 : i32
      %add3A_509 = arith.addi %mul3A_506, %mul3A_508 : i32
      %add3A_510 = arith.constant 7 : i32
      %add3A_511 = arith.addi %add3A_509, %add3A_510 : i32
      %sub3A_512 = arith.constant 2047 : i32
      %sub3A_513 = arith.subi %sub3A_512, %add3A_511 : i32
      %mul3A_514 = arith.constant 16 : i32
      %mul3A_515 = arith.muli %sub3A_513, %mul3A_514 : i32
      %add3A_516 = arith.constant 16384 : i32
      %add3A_517 = arith.addi %mul3A_515, %add3A_516 : i32
      %shift_right_arithmetic3A_518 = arith.constant 11 : i32
      %shift_right_arithmetic3A_519 = arith.shrsi %add3A_517, %shift_right_arithmetic3A_518 : i32
      %mul3A_520 = arith.constant 8 : i32
      %mul3A_521 = arith.muli %shift_right_arithmetic3A_519, %mul3A_520 : i32
      %and3A_522 = arith.constant 2047 : i32
      %and3A_523 = arith.andi %add3A_517, %and3A_522 : i32
      %multiple_of3A_524 = tpu.assume_multiple %mul3A_521, 8 : i32
      %get3A_525 = arith.index_cast %multiple_of3A_524 : i32 to index
      %get3A_526 = arith.constant 0 : index
      %get3A_527 = vector.load %arg2[%get3A_525, %get3A_526] : memref<192x4096xf32, #tpu.memory_space<vmem>>, vector<8x4096xf32>
      %neg3A_528 = arith.constant 0 : i32
      %neg3A_529 = arith.subi %neg3A_528, %and3A_523 : i32
      %roll3A_530 = tpu.dynamic_rotate %get3A_527 by %neg3A_529 dim 1 : vector<8x4096xf32>, i32 -> vector<8x4096xf32>
      %slice3A_531 = vector.extract_strided_slice %roll3A_530 {offsets = [0, 0], sizes = [8, 2048], strides = [1, 1]} : vector<8x4096xf32> to vector<8x2048xf32>
      %swap3A_532 = arith.constant 0 : index
      %swap3A_533 = arith.constant 0 : index
      %swap3A_534 = arith.constant 120 : index
      %swap3A_535 = arith.constant 0 : index
      %swap3A_536 = vector.load %arg4[%swap3A_532, %swap3A_533, %swap3A_534, %swap3A_535] : memref<1x1x128x2048xf32, #tpu.memory_space<vmem>>, vector<1x1x8x2048xf32>
      %swap3A_537 = vector.shape_cast %swap3A_536 : vector<1x1x8x2048xf32> to vector<8x2048xf32>
      %swap3A_538 = vector.shape_cast %slice3A_531 : vector<8x2048xf32> to vector<1x1x8x2048xf32>
      tpu.vector_store %arg4[%swap3A_532, %swap3A_533, %swap3A_534, %swap3A_535], %swap3A_538 {strides = array<i32>} : memref<1x1x128x2048xf32, #tpu.memory_space<vmem>>, vector<1x1x8x2048xf32>,
    } else {
    }
    %ge3A = arith.constant 14 : i32
    %ge3A_2 = arith.cmpi sge, %arg0, %ge3A : i32
    %convert_element_type3A_3 = arith.extui %ge3A_2 : i1 to i32
    %cond3A_4 = arith.constant 0 : i32
    %cond3A_5 = arith.cmpi ne, %convert_element_type3A_3, %cond3A_4 : i32
    scf.if %cond3A_5 {
      %get3A = arith.constant 0 : index
      %get3A_6 = arith.constant 0 : index
      %get3A_7 = arith.constant 0 : index
      %get3A_8 = vector.load %arg3[%get3A, %get3A_6, %get3A_7] : memref<8x16x2048xf32, #tpu.memory_space<vmem>>, vector<1x16x2048xf32>
      %get3A_9 = vector.shape_cast %get3A_8 : vector<1x16x2048xf32> to vector<16x2048xf32>
      %swap3A = arith.constant 0 : index
      %swap3A_10 = arith.constant 0 : index
      %swap3A_11 = arith.constant 0 : index
      %swap3A_12 = arith.constant 0 : index
      %swap3A_13 = vector.load %arg4[%swap3A, %swap3A_10, %swap3A_11, %swap3A_12] : memref<1x1x128x2048xf32, #tpu.memory_space<vmem>>, vector<1x1x16x2048xf32>
      %swap3A_14 = vector.shape_cast %swap3A_13 : vector<1x1x16x2048xf32> to vector<16x2048xf32>
      %swap3A_15 = vector.shape_cast %get3A_9 : vector<16x2048xf32> to vector<1x1x16x2048xf32>
      tpu.vector_store %arg4[%swap3A, %swap3A_10, %swap3A_11, %swap3A_12], %swap3A_15 {strides = array<i32>} : memref<1x1x128x2048xf32, #tpu.memory_space<vmem>>, vector<1x1x16x2048xf32>,
      %get3A_16 = arith.constant 1 : index
      %get3A_17 = arith.constant 0 : index
      %get3A_18 = arith.constant 0 : index
      %get3A_19 = vector.load %arg3[%get3A_16, %get3A_17, %get3A_18] : memref<8x16x2048xf32, #tpu.memory_space<vmem>>, vector<1x16x2048xf32>
      %get3A_20 = vector.shape_cast %get3A_19 : vector<1x16x2048xf32> to vector<16x2048xf32>
      %swap3A_21 = arith.constant 0 : index
      %swap3A_22 = arith.constant 0 : index
      %swap3A_23 = arith.constant 16 : index
      %swap3A_24 = arith.constant 0 : index
      %swap3A_25 = vector.load %arg4[%swap3A_21, %swap3A_22, %swap3A_23, %swap3A_24] : memref<1x1x128x2048xf32, #tpu.memory_space<vmem>>, vector<1x1x16x2048xf32>
      %swap3A_26 = vector.shape_cast %swap3A_25 : vector<1x1x16x2048xf32> to vector<16x2048xf32>
      %swap3A_27 = vector.shape_cast %get3A_20 : vector<16x2048xf32> to vector<1x1x16x2048xf32>
      tpu.vector_store %arg4[%swap3A_21, %swap3A_22, %swap3A_23, %swap3A_24], %swap3A_27 {strides = array<i32>} : memref<1x1x128x2048xf32, #tpu.memory_space<vmem>>, vector<1x1x16x2048xf32>,
      %get3A_28 = arith.constant 2 : index
      %get3A_29 = arith.constant 0 : index
      %get3A_30 = arith.constant 0 : index
      %get3A_31 = vector.load %arg3[%get3A_28, %get3A_29, %get3A_30] : memref<8x16x2048xf32, #tpu.memory_space<vmem>>, vector<1x16x2048xf32>
      %get3A_32 = vector.shape_cast %get3A_31 : vector<1x16x2048xf32> to vector<16x2048xf32>
      %swap3A_33 = arith.constant 0 : index
      %swap3A_34 = arith.constant 0 : index
      %swap3A_35 = arith.constant 32 : index
      %swap3A_36 = arith.constant 0 : index
      %swap3A_37 = vector.load %arg4[%swap3A_33, %swap3A_34, %swap3A_35, %swap3A_36] : memref<1x1x128x2048xf32, #tpu.memory_space<vmem>>, vector<1x1x16x2048xf32>
      %swap3A_38 = vector.shape_cast %swap3A_37 : vector<1x1x16x2048xf32> to vector<16x2048xf32>
      %swap3A_39 = vector.shape_cast %get3A_32 : vector<16x2048xf32> to vector<1x1x16x2048xf32>
      tpu.vector_store %arg4[%swap3A_33, %swap3A_34, %swap3A_35, %swap3A_36], %swap3A_39 {strides = array<i32>} : memref<1x1x128x2048xf32, #tpu.memory_space<vmem>>, vector<1x1x16x2048xf32>,
      %get3A_40 = arith.constant 3 : index
      %get3A_41 = arith.constant 0 : index
      %get3A_42 = arith.constant 0 : index
      %get3A_43 = vector.load %arg3[%get3A_40, %get3A_41, %get3A_42] : memref<8x16x2048xf32, #tpu.memory_space<vmem>>, vector<1x16x2048xf32>
      %get3A_44 = vector.shape_cast %get3A_43 : vector<1x16x2048xf32> to vector<16x2048xf32>
      %swap3A_45 = arith.constant 0 : index
      %swap3A_46 = arith.constant 0 : index
      %swap3A_47 = arith.constant 48 : index
      %swap3A_48 = arith.constant 0 : index
      %swap3A_49 = vector.load %arg4[%swap3A_45, %swap3A_46, %swap3A_47, %swap3A_48] : memref<1x1x128x2048xf32, #tpu.memory_space<vmem>>, vector<1x1x16x2048xf32>
      %swap3A_50 = vector.shape_cast %swap3A_49 : vector<1x1x16x2048xf32> to vector<16x2048xf32>
      %swap3A_51 = vector.shape_cast %get3A_44 : vector<16x2048xf32> to vector<1x1x16x2048xf32>
      tpu.vector_store %arg4[%swap3A_45, %swap3A_46, %swap3A_47, %swap3A_48], %swap3A_51 {strides = array<i32>} : memref<1x1x128x2048xf32, #tpu.memory_space<vmem>>, vector<1x1x16x2048xf32>,
      %get3A_52 = arith.constant 4 : index
      %get3A_53 = arith.constant 0 : index
      %get3A_54 = arith.constant 0 : index
      %get3A_55 = vector.load %arg3[%get3A_52, %get3A_53, %get3A_54] : memref<8x16x2048xf32, #tpu.memory_space<vmem>>, vector<1x16x2048xf32>
      %get3A_56 = vector.shape_cast %get3A_55 : vector<1x16x2048xf32> to vector<16x2048xf32>
      %swap3A_57 = arith.constant 0 : index
      %swap3A_58 = arith.constant 0 : index
      %swap3A_59 = arith.constant 64 : index
      %swap3A_60 = arith.constant 0 : index
      %swap3A_61 = vector.load %arg4[%swap3A_57, %swap3A_58, %swap3A_59, %swap3A_60] : memref<1x1x128x2048xf32, #tpu.memory_space<vmem>>, vector<1x1x16x2048xf32>
      %swap3A_62 = vector.shape_cast %swap3A_61 : vector<1x1x16x2048xf32> to vector<16x2048xf32>
      %swap3A_63 = vector.shape_cast %get3A_56 : vector<16x2048xf32> to vector<1x1x16x2048xf32>
      tpu.vector_store %arg4[%swap3A_57, %swap3A_58, %swap3A_59, %swap3A_60], %swap3A_63 {strides = array<i32>} : memref<1x1x128x2048xf32, #tpu.memory_space<vmem>>, vector<1x1x16x2048xf32>,
      %get3A_64 = arith.constant 5 : index
      %get3A_65 = arith.constant 0 : index
      %get3A_66 = arith.constant 0 : index
      %get3A_67 = vector.load %arg3[%get3A_64, %get3A_65, %get3A_66] : memref<8x16x2048xf32, #tpu.memory_space<vmem>>, vector<1x16x2048xf32>
      %get3A_68 = vector.shape_cast %get3A_67 : vector<1x16x2048xf32> to vector<16x2048xf32>
      %swap3A_69 = arith.constant 0 : index
      %swap3A_70 = arith.constant 0 : index
      %swap3A_71 = arith.constant 80 : index
      %swap3A_72 = arith.constant 0 : index
      %swap3A_73 = vector.load %arg4[%swap3A_69, %swap3A_70, %swap3A_71, %swap3A_72] : memref<1x1x128x2048xf32, #tpu.memory_space<vmem>>, vector<1x1x16x2048xf32>
      %swap3A_74 = vector.shape_cast %swap3A_73 : vector<1x1x16x2048xf32> to vector<16x2048xf32>
      %swap3A_75 = vector.shape_cast %get3A_68 : vector<16x2048xf32> to vector<1x1x16x2048xf32>
      tpu.vector_store %arg4[%swap3A_69, %swap3A_70, %swap3A_71, %swap3A_72], %swap3A_75 {strides = array<i32>} : memref<1x1x128x2048xf32, #tpu.memory_space<vmem>>, vector<1x1x16x2048xf32>,
      %get3A_76 = arith.constant 6 : index
      %get3A_77 = arith.constant 0 : index
      %get3A_78 = arith.constant 0 : index
      %get3A_79 = vector.load %arg3[%get3A_76, %get3A_77, %get3A_78] : memref<8x16x2048xf32, #tpu.memory_space<vmem>>, vector<1x16x2048xf32>
      %get3A_80 = vector.shape_cast %get3A_79 : vector<1x16x2048xf32> to vector<16x2048xf32>
      %swap3A_81 = arith.constant 0 : index
      %swap3A_82 = arith.constant 0 : index
      %swap3A_83 = arith.constant 96 : index
      %swap3A_84 = arith.constant 0 : index
      %swap3A_85 = vector.load %arg4[%swap3A_81, %swap3A_82, %swap3A_83, %swap3A_84] : memref<1x1x128x2048xf32, #tpu.memory_space<vmem>>, vector<1x1x16x2048xf32>
      %swap3A_86 = vector.shape_cast %swap3A_85 : vector<1x1x16x2048xf32> to vector<16x2048xf32>
      %swap3A_87 = vector.shape_cast %get3A_80 : vector<16x2048xf32> to vector<1x1x16x2048xf32>
      tpu.vector_store %arg4[%swap3A_81, %swap3A_82, %swap3A_83, %swap3A_84], %swap3A_87 {strides = array<i32>} : memref<1x1x128x2048xf32, #tpu.memory_space<vmem>>, vector<1x1x16x2048xf32>,
      %get3A_88 = arith.constant 7 : index
      %get3A_89 = arith.constant 0 : index
      %get3A_90 = arith.constant 0 : index
      %get3A_91 = vector.load %arg3[%get3A_88, %get3A_89, %get3A_90] : memref<8x16x2048xf32, #tpu.memory_space<vmem>>, vector<1x16x2048xf32>
      %get3A_92 = vector.shape_cast %get3A_91 : vector<1x16x2048xf32> to vector<16x2048xf32>
      %swap3A_93 = arith.constant 0 : index
      %swap3A_94 = arith.constant 0 : index
      %swap3A_95 = arith.constant 112 : index
      %swap3A_96 = arith.constant 0 : index
      %swap3A_97 = vector.load %arg4[%swap3A_93, %swap3A_94, %swap3A_95, %swap3A_96] : memref<1x1x128x2048xf32, #tpu.memory_space<vmem>>, vector<1x1x16x2048xf32>
      %swap3A_98 = vector.shape_cast %swap3A_97 : vector<1x1x16x2048xf32> to vector<16x2048xf32>
      %swap3A_99 = vector.shape_cast %get3A_92 : vector<16x2048xf32> to vector<1x1x16x2048xf32>
      tpu.vector_store %arg4[%swap3A_93, %swap3A_94, %swap3A_95, %swap3A_96], %swap3A_99 {strides = array<i32>} : memref<1x1x128x2048xf32, #tpu.memory_space<vmem>>, vector<1x1x16x2048xf32>,
    } else {
    }
    return
  }
  func.func @transform_0(%arg0: i32, %arg1: i32) -> (i32, i32) {
    %c0_i32 = arith.constant 0 : i32
    %c0_i32_0 = arith.constant 0 : i32
    %c0_i32_1 = arith.constant 0 : i32
    return %c0_i32, %c0_i32_0 : i32, i32
  }
  func.func @transform_1(%arg0: i32, %arg1: i32) -> (i32, i32, i32) {
    %ge3A = arith.constant 14 : i32
    %ge3A_0 = arith.cmpi sge, %arg0, %ge3A : i32
    %sub3A = arith.constant 14 : i32
    %sub3A_1 = arith.subi %arg0, %sub3A : i32
    %mul3A = arith.constant 16 : i32
    %mul3A_2 = arith.muli %sub3A_1, %mul3A : i32
    %add3A = arith.addi %mul3A_2, %arg1 : i32
    %jit3A = arith.constant 0 : i32
    %select_n3A = arith.select %ge3A_0, %add3A, %jit3A : i32
    %c0_i32 = arith.constant 0 : i32
    %c0_i32_3 = arith.constant 0 : i32
    %c0_i32_4 = arith.constant 0 : i32
    return %select_n3A, %c0_i32, %c0_i32_3 : i32, i32, i32
  }
  func.func @transform_2(%arg0: i32, %arg1: i32) -> (i32, i32, i32, i32) {
    %c0_i32 = arith.constant 0 : i32
    %c0_i32_0 = arith.constant 0 : i32
    %c0_i32_1 = arith.constant 0 : i32
    return %c0_i32, %arg0, %arg1, %c0_i32_0 : i32, i32, i32, i32
  }
}

</mosaic_0001>

<sc_bundles>
// kernel: kernel.4.cloned.1.call-start
scs
__scs_entry_jumppad:
0x0: {  	(pc) =	sbr.rel $0x88, $3  }
0x1: {  	(tag) =	ssettag $0x0;
	lr =	simm.s32 $0x1  }
0x2: {  	[smem:$0x3FA0] =	sst lr;
	_ =	strace $0xD0000000  }
0x3: {  	_ = 	snop  }
0x4: {  	_ = 	snop  }
0x5: {  	_ = 	snop  }
0x6: {  	_ = 	snop  }
0x7: {  	_ = 	snop  }
__scs_overlays_trampoline_lowered:
0x8: {  	[smem:$0x3FAF] =	sst s0  }
0x9: {  	[smem:$0x3FB0] =	sst s1  }
0xa: {  	[smem:$0x3FB1] =	sst s2  }
0xb: {  	[smem:$0x3FB2] =	sst s3  }
0xc: {  	[smem:$0x3FB3] =	sst s4  }
0xd: {  	[smem:$0x3FB4] =	sst s5  }
0xe: {  	[smem:$0x3FB5] =	sst s6  }
0xf: {  	[smem:$0x3FB6] =	sst s7  }
0x10: {  	[smem:$0x3FB7] =	sst s8  }
0x11: {  	[smem:$0x3FB8] =	sst s9;
	s0 =	simm.s32 @!p0 $0x0  }
0x12: {  	s1 =	sld [smem:$0x3F9E];
	s0 =	simm.s32 @p0 $0x1  }
0x13: {  	[smem:$0x3FB9] =	sst s0;
	s0 =	simm.s32 @!p1 $0x0  }
0x14: {  	s2 =	sld [smem:$0x3F9D];
	s0 =	simm.s32 @p1 $0x1  }
0x15: {  	[smem:$0x3FBA] =	sst s0;
	s0 =	simm.s32 @!p2 $0x0  }
0x16: {  	s3 =	sld [smem:$0x3FDB];
	s0 =	simm.s32 @p2 $0x1  }
0x17: {  	s4 =	simm.s32 $0x1BF5;
	[smem:$0x3FBC] =	sst s0  }
0x18: {  	s0 =	sld [smem:$0x3F9F];
	_ =	swait.ge [sflag:s4], $0x0  }
0x19: {  	s7 =	sld [smem:$0x3FA0]  }
0x1a: {  	s8 =	sadd.s32 $0xFFFFE003, lr  }
0x1b: {  	s9 =	sadd.s32 $0xFFFFFEF7, lr;
	s5 =	simm.s32 $0xFFFFFFFF;
	p2 =	slt.u32 s8, $0xFFFFF086  }
0x1c: {  	p1 =	slt.u32 s9, $0xF7A;
	s5 =	simm.s32 @!p2 $0x0  }
0x1d: {  	s5 =	simm.s32 @p1 $0x1;
	p0 =	seq.s32 s7, s2  }
0x1e: {  	s7 =	smul.u32 @!p0 $0xF7A, s2;
	p2 =	seq.s32 @!p0 s5, $0x0  }
0x1f: {  	s9 =	smul.u32 $0xF7A, s1;
	s8 =	simm.s32 @!p0 $0x1BF5;
	p2 =	por !p2, p0  }
0x20: {  	[sflag:s8] =	ssyncset.s32 @!p0 $0xFFFFF086;
	s6 =	sadd.s32 @!p0 s3, s7;
	s7 =	simm.s32 @!p0 $0x108  }
0x21: {  	s3 =	sadd.s32 s3, s9;
	s6 =	sadd.s32 @!p0 $0x88, s6;
	s7 =	simm.s32 @p2 $0x1082  }
0x22: {  	[simem:s7], [sflag:s8] =	dma.local @!p0 [hbm:s6], $0xF7A  }
0x23: {  	s9 =	sor.u32 $0xD0000000, s2;
	s6 =	simm.s32 $0x108;
	_ =	swait.ge @!p0 [sflag:s8], $0x0  }
0x24: {  	s3 =	sadd.s32 $0x88, s3;
	s6 =	simm.s32 @!p1 $0x1082;
	[sflag:s4] =	ssyncset.s32 $0xFFFFF086  }
0x25: {  	[simem:s6], [sflag:s4] =	dma.local [hbm:s3], $0xF7A  }
0x26: {  	[smem:$0x3FA0] =	sst s1;
	(tag) =	ssettag s2;
	_ =	strace s9  }
0x27: {  	s1 =	sld [smem:$0x3FB0]  }
0x28: {  	s2 =	sld [smem:$0x3FB1]  }
0x29: {  	s4 =	sld [smem:$0x3FB3]  }
0x2a: {  	p0 =	seq.s32 s5, $0x0;
	s5 =	sld [smem:$0x3FB4]  }
0x2b: {  	s6 =	sld [smem:$0x3FB5]  }
0x2c: {  	s7 =	sld [smem:$0x3FB6]  }
0x2d: {  	s3 =	simm.s32 $0x108;
	s8 =	sld [smem:$0x3FB7]  }
0x2e: {  	s3 =	simm.s32 @!p0 $0x1082;
	s9 =	sld [smem:$0x3FB8]  }
0x2f: {  	lr =	sadd.s32 s0, s3;
	s0 =	sld [smem:$0x3FAF]  }
0x30: {  	s3 =	sld [smem:$0x3FB2]  }
0x31: {  	[smem:$0x3FBB] =	sst s10  }
0x32: {  	s10 =	sld [smem:$0x3FB9];
	_ =	sdelay $0x3  }
0x33: {  	p0 =	seq.s32 s10, $0x1;
	s10 =	sld [smem:$0x3FBB];
	_ =	sdelay $0x3  }
0x34: {  	[smem:$0x3FBB] =	sst s10  }
0x35: {  	s10 =	sld [smem:$0x3FBA];
	_ =	sdelay $0x3  }
0x36: {  	p1 =	seq.s32 s10, $0x1;
	s10 =	sld [smem:$0x3FBB];
	_ =	sdelay $0x3  }
0x37: {  	[smem:$0x3FBB] =	sst s10  }
0x38: {  	s10 =	sld [smem:$0x3FBC]  }
0x39: {  	_ = 	snop;
	(pc) =	sbr.ind lr, $3  }
0x3a: {  	_ = 	snop  }
0x3b: {  	_ = 	snop  }
0x3c: {  	p2 =	seq.s32 s10, $0x1;
	s10 =	sld [smem:$0x3FBB]  }
0x3d: {  	_ =	shalt  }
0x3e: {  	_ =	shalt  }
0x3f: {  	_ =	shalt  }
0x40: {  	_ =	shalt  }
0x41: {  	_ =	shalt  }
0x42: {  	_ =	shalt  }
0x43: {  	_ =	shalt  }
0x44: {  	_ =	shalt  }
0x45: {  	_ =	shalt  }
0x46: {  	_ =	shalt  }
0x47: {  	_ =	shalt  }
0x48: {  	_ =	shalt  }
0x49: {  	_ =	shalt  }
0x4a: {  	_ =	shalt  }
0x4b: {  	_ =	shalt  }
0x4c: {  	_ =	shalt  }
0x4d: {  	_ =	shalt  }
0x4e: {  	_ =	shalt  }
0x4f: {  	_ =	shalt  }
0x50: {  	_ =	shalt  }
0x51: {  	_ =	shalt  }
0x52: {  	_ =	shalt  }
0x53: {  	_ =	shalt  }
0x54: {  	_ =	shalt  }
0x55: {  	_ =	shalt  }
0x56: {  	_ =	shalt  }
0x57: {  	_ =	shalt  }
0x58: {  	_ =	shalt  }
0x59: {  	_ =	shalt  }
0x5a: {  	_ =	shalt  }
0x5b: {  	_ =	shalt  }
0x5c: {  	_ =	shalt  }
0x5d: {  	_ =	shalt  }
0x5e: {  	_ =	shalt  }
0x5f: {  	_ =	shalt  }
0x60: {  	_ =	shalt  }
0x61: {  	_ =	shalt  }
0x62: {  	_ =	shalt  }
0x63: {  	_ =	shalt  }
0x64: {  	_ =	shalt  }
0x65: {  	_ =	shalt  }
0x66: {  	_ =	shalt  }
0x67: {  	_ =	shalt  }
0x68: {  	_ =	shalt  }
0x69: {  	_ =	shalt  }
0x6a: {  	_ =	shalt  }
0x6b: {  	_ =	shalt  }
0x6c: {  	_ =	shalt  }
0x6d: {  	_ =	shalt  }
0x6e: {  	_ =	shalt  }
0x6f: {  	_ =	shalt  }
0x70: {  	_ =	shalt  }
0x71: {  	_ =	shalt  }
0x72: {  	_ =	shalt  }
0x73: {  	_ =	shalt  }
0x74: {  	_ =	shalt  }
0x75: {  	_ =	shalt  }
0x76: {  	_ =	shalt  }
0x77: {  	_ =	shalt  }
0x78: {  	_ =	shalt  }
0x79: {  	_ =	shalt  }
0x7a: {  	_ =	shalt  }
0x7b: {  	_ =	shalt  }
0x7c: {  	_ =	shalt  }
0x7d: {  	_ =	shalt  }
0x7e: {  	_ =	shalt  }
0x7f: {  	_ =	shalt  }
0x80: {  	_ =	shalt  }
0x81: {  	_ =	shalt  }
0x82: {  	_ =	shalt  }
0x83: {  	_ =	shalt  }
0x84: {  	_ =	shalt  }
0x85: {  	_ =	shalt  }
0x86: {  	_ =	shalt  }
0x87: {  	_ =	shalt  }
.Lfunc_end0:
.L_simem_size_0:
called_computation_lowered:
.L_overlay_start_0:
0x88: {  	s2 =	sld [smem:$0x3FD9]  }
0x89: {  	s3 =	sld [smem:$0x3FFE];
	_ =	sdelay $0x1  }
0x8a: {  	s1 =	srdreg.scid  }
0x8b: {  	s0 =	sand.u32 $0x1, s1  }
0x8c: {  	s17 =	sshll.u32 s0, $0xA;
	s2 =	sadd.s32 s3, s2  }
0x8d: {  	s2 =	sadd.s32 s2, s17  }
0x8e: {  	[smem:$0x3FC7] =	sst s2  }
0x8f: {  	_ = 	snop  }
0x90: {  	s2 =	sld [smem:$0x3FD0];
	(tm) =	ssettm $0x1  }
0x91: {  	s18 =	sld [smem:$0x3FFB];
	_ =	sdelay $0x3  }
0x92: {  	_ =	strace s18  }
0x93: {  	s3 =	sld [smem:$0x3FFC];
	_ =	sdelay $0x3  }
0x94: {  	_ =	strace s3  }
0x95: {  	s3 =	sld [smem:$0x3FFD];
	_ =	sdelay $0x3  }
0x96: {  	_ =	strace s3  }
0x97: {  	_ =	strace $0x8FFFFFFF  }
0x98: {  	s19 =	sld [smem:$0x3FDB];
	_ =	sdelay $0x1  }
0x99: {  	s4 =	simm.s32 $_scs_section_size  }
0x9a: {  	s5 =	simm.s32 $_size__tile_overlayer_lowered;
	s6 =	simm.s32 $_tile_overlayer_lowered  }
0x9b: {  	s22 =	simm.s32 $0x1BFF;
	s21 =	sshll.u32 s6, $0x1;
	s3 =	sadd.s32 s4, s19  }
0x9c: {  	s7 =	simm.s32 $0x0;
	s20 =	sshll.u32 s5, $0x1;
	s5 =	sadd.s32 s21, s3  }
0x9d: {  	[timem:s7], [sflag:s22] =	dma.local [hbm:s5], s20  }
0x9e: {  	_ =	swait.ge [sflag:s22], s20  }
0x9f: {  	s4 =	ssub.s32 $0x0, s20;
	[sflag:s22] =	ssyncset.done $0x0  }
0xa0: {  	[sflag:s22] =	ssyncadd.s32 s4;
	_ =	sdelay $0x1  }
0xa1: {  	s23 =	simm.s32 $0x1B8B  }
0xa2: {  	_ =	swait.ge [sflag:s23], $0x1  }
0xa3: {  	[sflag:s23] =	ssyncset.done $0x0  }
0xa4: {  	s25 =	simm.s32 $0x1B8E;
	s24 =	sld [smem:$0x3FFE];
	[sflag:s23] =	ssyncadd.s32 $0xFFFFFFFF  }
0xa5: {  	s26 =	simm.s32 $execute0_lowered;
	[smem:$0x3FD2] =	sst s25  }
0xa6: {  	s5 =	sshll.u32 s26, $0x1;
	_ =	strace $0x80000046;
	[dreg:$0x1] =	wrdreg $0xFFFFFFFF  }
0xa7: {  	s28 =	simm.s32 $_size_execute0_lowered;
	s3 =	sadd.s32 s3, s5;
	[dreg:$0x0] =	wrdreg $0x0  }
0xa8: {  	s5 =	sshll.u32 s28, $0x1;
	[dreg:$0x2] =	wrdreg s3  }
0xa9: {  	[dreg:$0x3] =	wrdreg s5  }
0xaa: {  	[dreg:$0x4] =	wrdreg $0xC0  }
0xab: {  	_ =	task [dreg:s7], $0x5FFFF  }
0xac: {  	[dreg:$0x1] =	wrdreg $0xFFFFFFFF  }
0xad: {  	[dreg:$0x0] =	wrdreg $0x60  }
0xae: {  	[dreg:$0x2] =	wrdreg s24  }
0xaf: {  	[dreg:$0x3] =	wrdreg s2  }
0xb0: {  	[dreg:$0x4] =	wrdreg $0x9  }
0xb1: {  	_ =	task.clear_ibuf [dreg:s7], $0x5FFFF;
	_ =	strace $0x90000046  }
0xb2: {  	s29 =	simm.s32 $0x9;
	_ =	strace $0x80000048  }
0xb3: {  	_ =	swait.ge [sflag:s29], $0x1  }
0xb4: {  	[sflag:s29] =	ssyncadd.s32 $0xFFFFFFFF  }
0xb5: {  	_ =	strace $0x90000048  }
0xb6: {  	_ =	sfence  }
0xb7: {  	s30 =	sld [smem:$0x0];
	_ =	sdelay $0x2  }
0xb8: {  	s31 =	sshll.u32 s1, $0xD;
	s1 =	sshrl.u32 s1, $0x2  }
0xb9: {  	s3 =	sand.u32 $0x4000, s31;
	s1 =	sadd.s32 s1, s30  }
0xba: {  	s0 =	sor.u32 s3, s0;
	s1 =	sshll.u32 s1, $0x11  }
0xbb: {  	s0 =	sor.u32 s1, s0  }
0xbc: {  	s0 =	sadd.s32 $0x8F2B, s0  }
0xbd: {  	[sflag:s0] =	ssyncadd.remote.s32 $0x1  }
0xbe: {  	_ =	sfence.sel $0xFFFF  }
0xbf: {  	[dreg:$0x0] =	wrdreg $0xFFFFFFFF;
	(pc) =	sbr.abs _section_cstart, $3  }
0xc0: {  	[dreg:$0x1] =	wrdreg $0xFFFFFFFF  }
0xc1: {  	_ =	task.clear_ibuf [dreg:s7], $0x2FFFF;
	_ =	strace $0x9FFFFFFF  }
0xc2: {  	(tm) =	ssettm $0x7FFFFFFF  }
0xc3: {  	_ =	shalt  }
tec
execute0_lowered:
.L_overlay_start_1:
0x0: {  	(tag) =	ssettag $0x1  }
0x1: {  	s0 =	rddreg [dreg:$0x0]  }
0x2: {  	s3 =	rddreg [dreg:$0x1];
	s1 =	simm.s32 $0x0  }
0x3: {  	s2 =	srdreg.scid;
	[smem:$0x7FF] =	sst s1;
	s4 =	sadd.s32 $0xC00, s0  }
0x4: {  	s8 =	sadd.s32 $0xF00, s0;
	_ =	strace $0x80000047;
	[dreg:$0x3] =	wrdreg s4  }
0x5: {  	s6 =	stileid.u32;
	s9 =	sadd.s32 $0x1000, s0;
	[dreg:$0x6] =	wrdreg s8  }
0x6: {  	s2 =	sand.u32 $0x1, s2;
	s10 =	sadd.s32 $0x1100, s0;
	[dreg:$0x7] =	wrdreg s9  }
0x7: {  	s6 =	sshll.u32 s6, $0x4;
	s11 =	sadd.s32 $0x1200, s0;
	[dreg:$0x8] =	wrdreg s10  }
0x8: {  	s12 =	sadd.s32 $0x1300, s0;
	s13 =	sadd.s32 $0x1400, s0;
	[dreg:$0x9] =	wrdreg s11  }
0x9: {  	s25 =	ssub.s32 $0x2, s2;
	s7 =	sshll.u32 s2, $0x3;
	[dreg:$0xa] =	wrdreg s12  }
0xa: {  	[dreg:$0xb] =	wrdreg s13;
	s26 =	sor.u32 s7, s6;
	s6 =	sadd.s32 $0xD00, s0  }
0xb: {  	s5 =	sshrl.u32 s25, $0x1;
	s7 =	sadd.s32 $0xE00, s0;
	[dreg:$0x4] =	wrdreg s6  }
0xc: {  	s2 =	ssub.s32 s25, s5;
	[dreg:$0x5] =	wrdreg s7;
	s5 =	sshll.u32 s26, $0x4  }
0xd: {  	s4 =	sshll.u32 s26, $0xC;
	s14 =	sxor.u32 $0xFE0, s5;
	s8 =	sxor.u32 $0xFD0, s5  }
0xe: {  	s9 =	sxor.u32 $0xFF0, s5;
	s11 =	sxor.u32 $0xFC0, s5;
	s17 =	sxor.u32 $0xFB0, s5  }
0xf: {  	s22 =	sxor.u32 $0xFA0, s5;
	s16 =	sshrl.u32 s14, $0xB;
	s12 =	sshrl.u32 s9, $0xB  }
0x10: {  	s10 =	sshrl.u32 s8, $0xB;
	s15 =	sshrl.u32 s11, $0xB;
	s13 =	smul.u32 $0x3FC0, s12  }
0x11: {  	s19 =	sshrl.u32 s17, $0xB;
	s20 =	sand.u32 $0x7F0, s9;
	s18 =	smul.u32 $0x3FC0, s16  }
0x12: {  	s6 =	sand.u32 $0x7E0, s14;
	s23 =	sand.u32 $0x7D0, s8;
	s10 =	smul.u32 $0x3FC0, s10  }
0x13: {  	s26 =	sshrl.u32 s22, $0xB;
	s7 =	sand.u32 $0x7A0, s22;
	s25 =	smul.u32 $0x3FC0, s15  }
0x14: {  	s12 =	sadd.s32 s3, s4;
	s9 =	smul.u32 $0x3FC0, s26;
	s26 =	sadd.s32 $0x1800, s0  }
0x15: {  	s4 =	smul.u32 $0x3FC0, s19;
	[dreg:$0xf] =	wrdreg s26;
	s21 =	sshrl.u32 s13, $0x2  }
0x16: {  	s3 =	sshrl.u32 s18, $0x2;
	s24 =	sshrl.u32 s10, $0x2;
	s10 =	sxor.u32 $0xF90, s5  }
0x17: {  	s18 =	sand.u32 $0x7C0, s11;
	s8 =	sshrl.u32 s25, $0x2;
	s5 =	sxor.u32 $0xF80, s5  }
0x18: {  	s4 =	sshrl.u32 s4, $0x2;
	s22 =	sshrl.u32 s9, $0x2;
	s25 =	sadd.s32 $0x1700, s0  }
0x19: {  	s13 =	sadd.s32 s20, s21;
	s14 =	sadd.s32 s6, s3;
	s15 =	sadd.s32 s23, s24  }
0x1a: {  	s16 =	sadd.s32 s18, s8;
	s23 =	sadd.s32 $0x1500, s0;
	[dreg:$0xe] =	wrdreg s25  }
0x1b: {  	s19 =	sshrl.u32 s10, $0xB;
	s24 =	sadd.s32 $0x1600, s0;
	[dreg:$0xc] =	wrdreg s23  }
0x1c: {  	s18 =	sadd.s32 s7, s22;
	[dreg:$0xd] =	wrdreg s24;
	s7 =	sadd.s32 $0xFF0, s13  }
0x1d: {  	s20 =	sand.u32 $0x7B0, s17;
	s8 =	sadd.s32 $0x1FE0, s13;
	[dreg:$0x14] =	wrdreg s7  }
0x1e: {  	s21 =	sshrl.u32 s5, $0xB;
	s9 =	sadd.s32 $0x2FD0, s13;
	[dreg:$0x15] =	wrdreg s8  }
0x1f: {  	s3 =	sand.u32 $0x790, s10;
	s10 =	sadd.s32 $0x3FC0, s13;
	[dreg:$0x16] =	wrdreg s9  }
0x20: {  	s17 =	sadd.s32 s20, s4;
	s11 =	sadd.s32 $0x4FB0, s13;
	[dreg:$0x17] =	wrdreg s10  }
0x21: {  	s6 =	smul.u32 $0x3FC0, s19;
	s19 =	sadd.s32 $0x5FA0, s13;
	[dreg:$0x18] =	wrdreg s11  }
0x22: {  	s4 =	smul.u32 $0x3FC0, s21;
	s21 =	sadd.s32 $0x6F90, s13;
	[dreg:$0x19] =	wrdreg s19  }
0x23: {  	s23 =	sadd.s32 $0x7F80, s13;
	[dreg:$0x1a] =	wrdreg s21  }
0x24: {  	s24 =	sadd.s32 $0x8F70, s13;
	[dreg:$0x1b] =	wrdreg s23  }
0x25: {  	s25 =	sadd.s32 $0x9F60, s13;
	[dreg:$0x1c] =	wrdreg s24  }
0x26: {  	s26 =	sadd.s32 $0xAF50, s13;
	[dreg:$0x1d] =	wrdreg s25  }
0x27: {  	[dreg:$0x1e] =	wrdreg s26;
	s7 =	sadd.s32 $0xBF40, s13  }
0x28: {  	s8 =	sadd.s32 $0xCF30, s13;
	[dreg:$0x1f] =	wrdreg s7  }
0x29: {  	s9 =	sadd.s32 $0xDF20, s13;
	[smem:$0x79C] =	sst s8  }
0x2a: {  	s10 =	sadd.s32 $0xEF10, s13;
	[smem:$0x79D] =	sst s9  }
0x2b: {  	s11 =	sadd.s32 $0xFF0, s14;
	[smem:$0x79E] =	sst s10  }
0x2c: {  	s19 =	sadd.s32 $0x1FE0, s14;
	[smem:$0x79F] =	sst s11  }
0x2d: {  	s21 =	sadd.s32 $0x2FD0, s14;
	[smem:$0x7A0] =	sst s19  }
0x2e: {  	s23 =	sadd.s32 $0x3FC0, s14;
	[smem:$0x7A1] =	sst s21  }
0x2f: {  	s24 =	sadd.s32 $0x4FB0, s14;
	[smem:$0x7A2] =	sst s23  }
0x30: {  	s25 =	sadd.s32 $0x5FA0, s14;
	[smem:$0x7A3] =	sst s24  }
0x31: {  	s26 =	sadd.s32 $0x6F90, s14;
	[smem:$0x7A4] =	sst s25  }
0x32: {  	[smem:$0x7A5] =	sst s26;
	s7 =	sadd.s32 $0x7F80, s14  }
0x33: {  	s8 =	sadd.s32 $0x8F70, s14;
	[smem:$0x7A6] =	sst s7  }
0x34: {  	s9 =	sadd.s32 $0x9F60, s14;
	[smem:$0x7A7] =	sst s8  }
0x35: {  	s10 =	sadd.s32 $0xAF50, s14;
	[smem:$0x7A8] =	sst s9  }
0x36: {  	s11 =	sadd.s32 $0xBF40, s14;
	[smem:$0x7A9] =	sst s10  }
0x37: {  	s19 =	sadd.s32 $0xCF30, s14;
	[smem:$0x7AA] =	sst s11  }
0x38: {  	s21 =	sadd.s32 $0xDF20, s14;
	[smem:$0x7AB] =	sst s19  }
0x39: {  	s23 =	sadd.s32 $0xEF10, s14;
	[smem:$0x7AC] =	sst s21  }
0x3a: {  	s24 =	sadd.s32 $0xFF0, s15;
	[smem:$0x7AD] =	sst s23  }
0x3b: {  	s5 =	sand.u32 $0x780, s5;
	s25 =	sadd.s32 $0x1FE0, s15;
	[smem:$0x7AE] =	sst s24  }
0x3c: {  	s4 =	sshrl.u32 s4, $0x2;
	s26 =	sadd.s32 $0x2FD0, s15;
	[smem:$0x7AF] =	sst s25  }
0x3d: {  	s22 =	sadd.s32 s5, s4;
	s4 =	sadd.s32 $0x1900, s0;
	[smem:$0x7B0] =	sst s26  }
0x3e: {  	s5 =	sadd.s32 $0x1A00, s0;
	[dreg:$0x10] =	wrdreg s4  }
0x3f: {  	s6 =	sshrl.u32 s6, $0x2;
	s0 =	sadd.s32 $0x1B00, s0;
	[dreg:$0x11] =	wrdreg s5  }
0x40: {  	s20 =	sadd.s32 s3, s6;
	s6 =	smax.u32 s2, $0x1;
	[dreg:$0x12] =	wrdreg s0  }
0x41: {  	s7 =	sadd.s32 $0x3FC0, s15;
	[dreg:$0x13] =	wrdreg s6  }
0x42: {  	s8 =	sadd.s32 $0x4FB0, s15;
	[smem:$0x7B1] =	sst s7  }
0x43: {  	s9 =	sadd.s32 $0x5FA0, s15;
	[smem:$0x7B2] =	sst s8  }
0x44: {  	s10 =	sadd.s32 $0x6F90, s15;
	[smem:$0x7B3] =	sst s9  }
0x45: {  	s11 =	sadd.s32 $0x7F80, s15;
	[smem:$0x7B4] =	sst s10  }
0x46: {  	s19 =	sadd.s32 $0x8F70, s15;
	[smem:$0x7B5] =	sst s11  }
0x47: {  	s21 =	sadd.s32 $0x9F60, s15;
	[smem:$0x7B6] =	sst s19  }
0x48: {  	s23 =	sadd.s32 $0xAF50, s15;
	[smem:$0x7B7] =	sst s21  }
0x49: {  	s24 =	sadd.s32 $0xBF40, s15;
	[smem:$0x7B8] =	sst s23  }
0x4a: {  	s25 =	sadd.s32 $0xCF30, s15;
	[smem:$0x7B9] =	sst s24  }
0x4b: {  	s26 =	sadd.s32 $0xDF20, s15;
	[smem:$0x7BA] =	sst s25  }
0x4c: {  	[smem:$0x7BB] =	sst s26;
	s7 =	sadd.s32 $0xEF10, s15  }
0x4d: {  	s8 =	sadd.s32 $0xFF0, s16;
	[smem:$0x7BC] =	sst s7  }
0x4e: {  	s9 =	sadd.s32 $0x1FE0, s16;
	[smem:$0x7BD] =	sst s8  }
0x4f: {  	s10 =	sadd.s32 $0x2FD0, s16;
	[smem:$0x7BE] =	sst s9  }
0x50: {  	s11 =	sadd.s32 $0x3FC0, s16;
	[smem:$0x7BF] =	sst s10  }
0x51: {  	s19 =	sadd.s32 $0x4FB0, s16;
	[smem:$0x7C0] =	sst s11  }
0x52: {  	s21 =	sadd.s32 $0x5FA0, s16;
	[smem:$0x7C1] =	sst s19  }
0x53: {  	s23 =	sadd.s32 $0x6F90, s16;
	[smem:$0x7C2] =	sst s21  }
0x54: {  	s24 =	sadd.s32 $0x7F80, s16;
	[smem:$0x7C3] =	sst s23  }
0x55: {  	s25 =	sadd.s32 $0x8F70, s16;
	[smem:$0x7C4] =	sst s24  }
0x56: {  	s26 =	sadd.s32 $0x9F60, s16;
	[smem:$0x7C5] =	sst s25  }
0x57: {  	[smem:$0x7C6] =	sst s26;
	s7 =	sadd.s32 $0xAF50, s16  }
0x58: {  	s8 =	sadd.s32 $0xBF40, s16;
	[smem:$0x7C7] =	sst s7  }
0x59: {  	s9 =	sadd.s32 $0xCF30, s16;
	[smem:$0x7C8] =	sst s8  }
0x5a: {  	s10 =	sadd.s32 $0xDF20, s16;
	[smem:$0x7C9] =	sst s9  }
0x5b: {  	s11 =	sadd.s32 $0xEF10, s16;
	[smem:$0x7CA] =	sst s10  }
0x5c: {  	s19 =	sadd.s32 $0xFF0, s17;
	[smem:$0x7CB] =	sst s11  }
0x5d: {  	s21 =	sadd.s32 $0x1FE0, s17;
	[smem:$0x7CC] =	sst s19  }
0x5e: {  	s23 =	sadd.s32 $0x2FD0, s17;
	[smem:$0x7CD] =	sst s21  }
0x5f: {  	s24 =	sadd.s32 $0x3FC0, s17;
	[smem:$0x7CE] =	sst s23  }
0x60: {  	s25 =	sadd.s32 $0x4FB0, s17;
	[smem:$0x7CF] =	sst s24  }
0x61: {  	s26 =	sadd.s32 $0x5FA0, s17;
	[smem:$0x7D0] =	sst s25  }
0x62: {  	[smem:$0x7D1] =	sst s26;
	s7 =	sadd.s32 $0x6F90, s17  }
0x63: {  	s8 =	sadd.s32 $0x7F80, s17;
	[smem:$0x7D2] =	sst s7  }
0x64: {  	s9 =	sadd.s32 $0x8F70, s17;
	[smem:$0x7D3] =	sst s8  }
0x65: {  	s10 =	sadd.s32 $0x9F60, s17;
	[smem:$0x7D4] =	sst s9  }
0x66: {  	s11 =	sadd.s32 $0xAF50, s17;
	[smem:$0x7D5] =	sst s10  }
0x67: {  	s19 =	sadd.s32 $0xBF40, s17;
	[smem:$0x7D6] =	sst s11  }
0x68: {  	s21 =	sadd.s32 $0xCF30, s17;
	[smem:$0x7D7] =	sst s19  }
0x69: {  	s23 =	sadd.s32 $0xDF20, s17;
	[smem:$0x7D8] =	sst s21  }
0x6a: {  	s24 =	sadd.s32 $0xEF10, s17;
	[smem:$0x7D9] =	sst s23  }
0x6b: {  	s25 =	sadd.s32 $0xFF0, s18;
	[smem:$0x7DA] =	sst s24  }
0x6c: {  	s26 =	sadd.s32 $0x1FE0, s18;
	[smem:$0x7DB] =	sst s25  }
0x6d: {  	[smem:$0x7DC] =	sst s26;
	s7 =	sadd.s32 $0x2FD0, s18  }
0x6e: {  	s8 =	sadd.s32 $0x3FC0, s18;
	[smem:$0x7DD] =	sst s7  }
0x6f: {  	s9 =	sadd.s32 $0x4FB0, s18;
	[smem:$0x7DE] =	sst s8  }
0x70: {  	s10 =	sadd.s32 $0x5FA0, s18;
	[smem:$0x7DF] =	sst s9  }
0x71: {  	s11 =	sadd.s32 $0x6F90, s18;
	[smem:$0x7E0] =	sst s10  }
0x72: {  	s19 =	sadd.s32 $0x7F80, s18;
	[smem:$0x7E1] =	sst s11  }
0x73: {  	s21 =	sadd.s32 $0x8F70, s18;
	[smem:$0x7E2] =	sst s19  }
0x74: {  	s23 =	sadd.s32 $0x9F60, s18;
	[smem:$0x7E3] =	sst s21  }
0x75: {  	s24 =	sadd.s32 $0xAF50, s18;
	[smem:$0x7E4] =	sst s23  }
0x76: {  	s25 =	sadd.s32 $0xBF40, s18;
	[smem:$0x7E5] =	sst s24  }
0x77: {  	s26 =	sadd.s32 $0xCF30, s18;
	[smem:$0x7E6] =	sst s25  }
0x78: {  	[smem:$0x7E7] =	sst s26;
	s7 =	sadd.s32 $0xDF20, s18  }
0x79: {  	s8 =	sadd.s32 $0xEF10, s18;
	[smem:$0x7E8] =	sst s7  }
0x7a: {  	s9 =	sadd.s32 $0xFF0, s20;
	[smem:$0x7E9] =	sst s8  }
0x7b: {  	s10 =	sadd.s32 $0x1FE0, s20;
	[smem:$0x7EA] =	sst s9  }
0x7c: {  	s11 =	sadd.s32 $0x2FD0, s20;
	[smem:$0x7EB] =	sst s10  }
0x7d: {  	s19 =	sadd.s32 $0x3FC0, s20;
	[smem:$0x7EC] =	sst s11  }
0x7e: {  	s21 =	sadd.s32 $0x4FB0, s20;
	[smem:$0x7ED] =	sst s19  }
0x7f: {  	s23 =	sadd.s32 $0x5FA0, s20;
	[smem:$0x7EE] =	sst s21  }
0x80: {  	s24 =	sadd.s32 $0x6F90, s20;
	[smem:$0x7EF] =	sst s23  }
0x81: {  	s25 =	sadd.s32 $0x7F80, s20;
	[smem:$0x7F0] =	sst s24  }
0x82: {  	s26 =	sadd.s32 $0x8F70, s20;
	[smem:$0x7F1] =	sst s25  }
0x83: {  	[smem:$0x7F2] =	sst s26;
	s7 =	sadd.s32 $0x9F60, s20  }
0x84: {  	s8 =	sadd.s32 $0xAF50, s20;
	[smem:$0x7F3] =	sst s7  }
0x85: {  	s9 =	sadd.s32 $0xBF40, s20;
	[smem:$0x7F4] =	sst s8  }
0x86: {  	s30 =	sadd.s32 $0x1000, s12;
	s10 =	sadd.s32 $0xCF30, s20;
	[smem:$0x7F5] =	sst s9  }
0x87: {  	s31 =	sadd.s32 $0x2000, s12;
	s11 =	sadd.s32 $0xDF20, s20;
	[smem:$0x7F6] =	sst s10  }
0x88: {  	s2 =	sadd.s32 $0x4000, s12;
	s19 =	sadd.s32 $0xEF10, s20;
	[smem:$0x7F7] =	sst s11  }
0x89: {  	s3 =	sadd.s32 $0x5000, s12;
	s21 =	sadd.s32 $0xFF0, s22;
	[smem:$0x7F8] =	sst s19  }
0x8a: {  	s0 =	sadd.s32 $0x3000, s12;
	s23 =	sadd.s32 $0x1FE0, s22;
	[smem:$0x7F9] =	sst s21  }
0x8b: {  	s4 =	sadd.s32 $0x6000, s12;
	s24 =	sadd.s32 $0x2FD0, s22;
	[smem:$0x7FA] =	sst s23  }
0x8c: {  	s5 =	sadd.s32 $0x7000, s12;
	s25 =	sadd.s32 $0x3FC0, s22;
	[smem:$0x7FB] =	sst s24  }
0x8d: {  	s28 =	sadd.s32 $0x5FA0, s22;
	s26 =	sadd.s32 $0x4FB0, s22;
	[smem:$0x7FC] =	sst s25  }
0x8e: {  	s29 =	sadd.s32 $0x6F90, s22;
	s6 =	sadd.s32 $0x7F80, s22;
	[smem:$0x7FD] =	sst s26  }
0x8f: {  	s7 =	sadd.s32 $0x8F70, s22;
	s8 =	sadd.s32 $0x9F60, s22;
	s9 =	sadd.s32 $0xAF50, s22  }
0x90: {  	s10 =	sadd.s32 $0xBF40, s22;
	s11 =	sadd.s32 $0xCF30, s22;
	s19 =	sadd.s32 $0xDF20, s22  }
0x91: {  	s21 =	sadd.s32 $0xEF10, s22;
	s23 =	simm.s32 $0x1;
	s24 =	simm.s32 $0x0  }
.LBB2_1:
0x92: {  	s25 =	rddreg [dreg:$0x3]  }
0x93: {  	[tilespmem:s1], [sflag:$0x1] =	stream.linear.gather [hbm4b:s25+s1], $0xFF0, $0x38;
	[tilespmem:$0x10EF0] =	vst v63  }
0x94: {  	s26 =	simm.s32 $0xFF0;
	s25 =	rddreg [dreg:$0x4]  }
0x95: {  	[tilespmem:s26], [sflag:$0x1] =	stream.linear.gather [hbm4b:s25+s1], $0xFF0, $0x38;
	[tilespmem:$0x10EF0] =	vst v63  }
0x96: {  	s25 =	rddreg [dreg:$0x5];
	s26 =	simm.s32 $0x1FE0  }
0x97: {  	[tilespmem:s26], [sflag:$0x1] =	stream.linear.gather [hbm4b:s25+s1], $0xFF0, $0x38;
	[tilespmem:$0x10EF0] =	vst v63  }
0x98: {  	s25 =	rddreg [dreg:$0x6];
	s26 =	simm.s32 $0x2FD0  }
0x99: {  	[tilespmem:s26], [sflag:$0x1] =	stream.linear.gather [hbm4b:s25+s1], $0xFF0, $0x38;
	[tilespmem:$0x10EF0] =	vst v63  }
0x9a: {  	s25 =	rddreg [dreg:$0x7];
	s26 =	simm.s32 $0x3FC0  }
0x9b: {  	[tilespmem:s26], [sflag:$0x1] =	stream.linear.gather [hbm4b:s25+s1], $0xFF0, $0x38;
	[tilespmem:$0x10EF0] =	vst v63  }
0x9c: {  	s25 =	rddreg [dreg:$0x8];
	s26 =	simm.s32 $0x4FB0  }
0x9d: {  	[tilespmem:s26], [sflag:$0x1] =	stream.linear.gather [hbm4b:s25+s1], $0xFF0, $0x38;
	[tilespmem:$0x10EF0] =	vst v63  }
0x9e: {  	s25 =	rddreg [dreg:$0x9];
	s26 =	simm.s32 $0x5FA0  }
0x9f: {  	[tilespmem:s26], [sflag:$0x1] =	stream.linear.gather [hbm4b:s25+s1], $0xFF0, $0x38;
	[tilespmem:$0x10EF0] =	vst v63  }
0xa0: {  	s25 =	rddreg [dreg:$0xa];
	s26 =	simm.s32 $0x6F90  }
0xa1: {  	[tilespmem:s26], [sflag:$0x1] =	stream.linear.gather [hbm4b:s25+s1], $0xFF0, $0x38;
	[tilespmem:$0x10EF0] =	vst v63  }
0xa2: {  	s25 =	rddreg [dreg:$0xb];
	s26 =	simm.s32 $0x7F80  }
0xa3: {  	[tilespmem:s26], [sflag:$0x1] =	stream.linear.gather [hbm4b:s25+s1], $0xFF0, $0x38;
	[tilespmem:$0x10EF0] =	vst v63  }
0xa4: {  	s25 =	rddreg [dreg:$0xc];
	s26 =	simm.s32 $0x8F70  }
0xa5: {  	[tilespmem:s26], [sflag:$0x1] =	stream.linear.gather [hbm4b:s25+s1], $0xFF0, $0x38;
	[tilespmem:$0x10EF0] =	vst v63  }
0xa6: {  	s25 =	rddreg [dreg:$0xd];
	s26 =	simm.s32 $0x9F60  }
0xa7: {  	[tilespmem:s26], [sflag:$0x1] =	stream.linear.gather [hbm4b:s25+s1], $0xFF0, $0x38;
	[tilespmem:$0x10EF0] =	vst v63  }
0xa8: {  	s25 =	rddreg [dreg:$0xe];
	s26 =	simm.s32 $0xAF50  }
0xa9: {  	[tilespmem:s26], [sflag:$0x1] =	stream.linear.gather [hbm4b:s25+s1], $0xFF0, $0x38;
	[tilespmem:$0x10EF0] =	vst v63  }
0xaa: {  	s25 =	rddreg [dreg:$0xf];
	s26 =	simm.s32 $0xBF40  }
0xab: {  	[tilespmem:s26], [sflag:$0x1] =	stream.linear.gather [hbm4b:s25+s1], $0xFF0, $0x38;
	[tilespmem:$0x10EF0] =	vst v63  }
0xac: {  	s25 =	rddreg [dreg:$0x10];
	s26 =	simm.s32 $0xCF30  }
0xad: {  	[tilespmem:s26], [sflag:$0x1] =	stream.linear.gather [hbm4b:s25+s1], $0xFF0, $0x38;
	[tilespmem:$0x10EF0] =	vst v63  }
0xae: {  	s25 =	rddreg [dreg:$0x11];
	s26 =	simm.s32 $0xDF20  }
0xaf: {  	[tilespmem:s26], [sflag:$0x1] =	stream.linear.gather [hbm4b:s25+s1], $0xFF0, $0x38;
	[tilespmem:$0x10EF0] =	vst v63  }
0xb0: {  	s25 =	rddreg [dreg:$0x12];
	s26 =	simm.s32 $0xEF10  }
0xb1: {  	[tilespmem:s26], [sflag:$0x1] =	stream.linear.gather [hbm4b:s25+s1], $0x800, $0x38;
	[tilespmem:$0x10EF0] =	vst v63  }
0xb2: {  	_ =	swait.ge [sflag:s23], $0xFF0  }
0xb3: {  	[sflag:s23] =	ssyncset.done $0x0  }
0xb4: {  	[sflag:s23] =	ssyncadd.s32 $0xFFFFF010  }
0xb5: {  	_ =	swait.ge [sflag:s23], $0xFF0  }
0xb6: {  	[sflag:s23] =	ssyncset.done $0x0  }
0xb7: {  	[sflag:s23] =	ssyncadd.s32 $0xFFFFF010  }
0xb8: {  	_ =	swait.ge [sflag:s23], $0xFF0  }
0xb9: {  	[sflag:s23] =	ssyncset.done $0x0  }
0xba: {  	[sflag:s23] =	ssyncadd.s32 $0xFFFFF010  }
0xbb: {  	_ =	swait.ge [sflag:s23], $0xFF0  }
0xbc: {  	[sflag:s23] =	ssyncset.done $0x0  }
0xbd: {  	[sflag:s23] =	ssyncadd.s32 $0xFFFFF010  }
0xbe: {  	_ =	swait.ge [sflag:s23], $0xFF0  }
0xbf: {  	[sflag:s23] =	ssyncset.done $0x0  }
0xc0: {  	[sflag:s23] =	ssyncadd.s32 $0xFFFFF010  }
0xc1: {  	_ =	swait.ge [sflag:s23], $0xFF0  }
0xc2: {  	[sflag:s23] =	ssyncset.done $0x0  }
0xc3: {  	[sflag:s23] =	ssyncadd.s32 $0xFFFFF010  }
0xc4: {  	_ =	swait.ge [sflag:s23], $0xFF0  }
0xc5: {  	[sflag:s23] =	ssyncset.done $0x0  }
0xc6: {  	[sflag:s23] =	ssyncadd.s32 $0xFFFFF010  }
0xc7: {  	_ =	swait.ge [sflag:s23], $0xFF0  }
0xc8: {  	[sflag:s23] =	ssyncset.done $0x0  }
0xc9: {  	[sflag:s23] =	ssyncadd.s32 $0xFFFFF010  }
0xca: {  	_ =	swait.ge [sflag:s23], $0xFF0  }
0xcb: {  	[sflag:s23] =	ssyncset.done $0x0  }
0xcc: {  	[sflag:s23] =	ssyncadd.s32 $0xFFFFF010  }
0xcd: {  	_ =	swait.ge [sflag:s23], $0xFF0  }
0xce: {  	[sflag:s23] =	ssyncset.done $0x0  }
0xcf: {  	[sflag:s23] =	ssyncadd.s32 $0xFFFFF010  }
0xd0: {  	_ =	swait.ge [sflag:s23], $0xFF0  }
0xd1: {  	[sflag:s23] =	ssyncset.done $0x0  }
0xd2: {  	[sflag:s23] =	ssyncadd.s32 $0xFFFFF010  }
0xd3: {  	_ =	swait.ge [sflag:s23], $0xFF0  }
0xd4: {  	[sflag:s23] =	ssyncset.done $0x0  }
0xd5: {  	[sflag:s23] =	ssyncadd.s32 $0xFFFFF010  }
0xd6: {  	_ =	swait.ge [sflag:s23], $0xFF0  }
0xd7: {  	[sflag:s23] =	ssyncset.done $0x0  }
0xd8: {  	[sflag:s23] =	ssyncadd.s32 $0xFFFFF010  }
0xd9: {  	_ =	swait.ge [sflag:s23], $0xFF0  }
0xda: {  	[sflag:s23] =	ssyncset.done $0x0  }
0xdb: {  	[sflag:s23] =	ssyncadd.s32 $0xFFFFF010  }
0xdc: {  	_ =	swait.ge [sflag:s23], $0xFF0  }
0xdd: {  	[sflag:s23] =	ssyncset.done $0x0  }
0xde: {  	[sflag:s23] =	ssyncadd.s32 $0xFFFFF010  }
0xdf: {  	_ =	swait.ge [sflag:s23], $0x800  }
0xe0: {  	[sflag:s23] =	ssyncset.done $0x0  }
0xe1: {  	[sflag:s23] =	ssyncadd.s32 $0xFFFFF800  }
0xe2: {  	v0 =	vld [tilespmem:$0xF700];
	_ =	sdelay $0x3  }
0xe3: {  	s25 =	simm.s32 $0x0  }
.LBB2_2:
0xe4: {  	p0 =	sne.s32 s25, $0x1F80  }
.Ltmp0:
0xe5: {  	_ = 	snop;
	(pc) =	sbr.rel @p0 .LBB2_2-.Ltmp0, $3  }
0xe6: {  	_ =	sdelay $0x1  }
0xe7: {  	s26 =	sshra.s32 s25, $0x2  }
0xe8: {  	s25 =	sadd.s32 $0x40, s25;
	[tilespmem:s26+$0xF710] =	vst v0  }
0xe9: {  	s25 =	simm.s32 $0x40;
	s26 =	simm.s32 $0x0  }
.LBB2_4:
0xea: {  	p0 =	sne.s32 s25, $0x3F80;
	[tilespmem:s26+$0xFF00] =	vst v0;
	s26 =	smov.u32 s25;
	s25 =	sadd.s32 $0x40, s25  }
.Ltmp1:
0xeb: {  	(pc) =	sbr.rel @p0 .LBB2_4-.Ltmp1, $2  }
0xec: {  	_ =	sdelay $0x2  }
0xed: {  	s26 =	sshra.s32 s26, $0x2  }
0xee: {  	[tilespmem:s26+$0xFF00] =	vst v0  }
0xef: {  	[hbm4b:s12+s1] =	stream.linear.scatter [tilespmem:s13], [sflag:$0x1], $0x800, $0x38;
	[tilespmem:$0x10EF0] =	vst v63  }
0xf0: {  	s25 =	sadd.s32 $0x100, s12;
	s26 =	rddreg [dreg:$0x14]  }
0xf1: {  	[hbm4b:s25+s1] =	stream.linear.scatter [tilespmem:s26], [sflag:$0x1], $0x800, $0x38;
	[tilespmem:$0x10EF0] =	vst v63  }
0xf2: {  	s25 =	sadd.s32 $0x200, s12;
	s26 =	rddreg [dreg:$0x15]  }
0xf3: {  	[hbm4b:s25+s1] =	stream.linear.scatter [tilespmem:s26], [sflag:$0x1], $0x800, $0x38;
	[tilespmem:$0x10EF0] =	vst v63  }
0xf4: {  	s25 =	sadd.s32 $0x300, s12;
	s26 =	rddreg [dreg:$0x16]  }
0xf5: {  	[hbm4b:s25+s1] =	stream.linear.scatter [tilespmem:s26], [sflag:$0x1], $0x800, $0x38;
	[tilespmem:$0x10EF0] =	vst v63  }
0xf6: {  	s25 =	sadd.s32 $0x400, s12;
	s26 =	rddreg [dreg:$0x17]  }
0xf7: {  	[hbm4b:s25+s1] =	stream.linear.scatter [tilespmem:s26], [sflag:$0x1], $0x800, $0x38;
	[tilespmem:$0x10EF0] =	vst v63  }
0xf8: {  	s25 =	sadd.s32 $0x500, s12;
	s26 =	rddreg [dreg:$0x18]  }
0xf9: {  	[hbm4b:s25+s1] =	stream.linear.scatter [tilespmem:s26], [sflag:$0x1], $0x800, $0x38;
	[tilespmem:$0x10EF0] =	vst v63  }
0xfa: {  	s25 =	sadd.s32 $0x600, s12;
	s26 =	rddreg [dreg:$0x19]  }
0xfb: {  	[hbm4b:s25+s1] =	stream.linear.scatter [tilespmem:s26], [sflag:$0x1], $0x800, $0x38;
	[tilespmem:$0x10EF0] =	vst v63  }
0xfc: {  	s25 =	sadd.s32 $0x700, s12;
	s26 =	rddreg [dreg:$0x1a]  }
0xfd: {  	[hbm4b:s25+s1] =	stream.linear.scatter [tilespmem:s26], [sflag:$0x1], $0x800, $0x38;
	[tilespmem:$0x10EF0] =	vst v63  }
0xfe: {  	s25 =	sadd.s32 $0x800, s12;
	s26 =	rddreg [dreg:$0x1b]  }
0xff: {  	[hbm4b:s25+s1] =	stream.linear.scatter [tilespmem:s26], [sflag:$0x1], $0x800, $0x38;
	[tilespmem:$0x10EF0] =	vst v63  }
0x100: {  	s25 =	sadd.s32 $0x900, s12;
	s26 =	rddreg [dreg:$0x1c]  }
0x101: {  	[hbm4b:s25+s1] =	stream.linear.scatter [tilespmem:s26], [sflag:$0x1], $0x800, $0x38;
	[tilespmem:$0x10EF0] =	vst v63  }
0x102: {  	s25 =	sadd.s32 $0xA00, s12;
	s26 =	rddreg [dreg:$0x1d]  }
0x103: {  	[hbm4b:s25+s1] =	stream.linear.scatter [tilespmem:s26], [sflag:$0x1], $0x800, $0x38;
	[tilespmem:$0x10EF0] =	vst v63  }
0x104: {  	s25 =	sadd.s32 $0xB00, s12;
	s26 =	rddreg [dreg:$0x1e]  }
0x105: {  	[hbm4b:s25+s1] =	stream.linear.scatter [tilespmem:s26], [sflag:$0x1], $0x800, $0x38;
	[tilespmem:$0x10EF0] =	vst v63  }
0x106: {  	s25 =	sadd.s32 $0xC00, s12;
	s26 =	rddreg [dreg:$0x1f]  }
0x107: {  	[hbm4b:s25+s1] =	stream.linear.scatter [tilespmem:s26], [sflag:$0x1], $0x800, $0x38;
	[tilespmem:$0x10EF0] =	vst v63  }
0x108: {  	s26 =	sld [smem:$0x79C];
	_ =	sdelay $0x1  }
0x109: {  	s25 =	sadd.s32 $0xD00, s12  }
0x10a: {  	[hbm4b:s25+s1] =	stream.linear.scatter [tilespmem:s26], [sflag:$0x1], $0x800, $0x38;
	[tilespmem:$0x10EF0] =	vst v63  }
0x10b: {  	s26 =	sld [smem:$0x79D];
	_ =	sdelay $0x1  }
0x10c: {  	s25 =	sadd.s32 $0xE00, s12  }
0x10d: {  	[hbm4b:s25+s1] =	stream.linear.scatter [tilespmem:s26], [sflag:$0x1], $0x800, $0x38;
	[tilespmem:$0x10EF0] =	vst v63  }
0x10e: {  	s26 =	sld [smem:$0x79E];
	_ =	sdelay $0x1  }
0x10f: {  	s25 =	sadd.s32 $0xF00, s12  }
0x110: {  	[hbm4b:s25+s1] =	stream.linear.scatter [tilespmem:s26], [sflag:$0x1], $0x800, $0x38;
	[tilespmem:$0x10EF0] =	vst v63  }
0x111: {  	s26 =	sld [smem:$0x79F]  }
0x112: {  	[hbm4b:s30+s1] =	stream.linear.scatter [tilespmem:s14], [sflag:$0x1], $0x800, $0x38;
	[tilespmem:$0x10EF0] =	vst v63  }
0x113: {  	s25 =	sadd.s32 $0x100, s30  }
0x114: {  	[hbm4b:s25+s1] =	stream.linear.scatter [tilespmem:s26], [sflag:$0x1], $0x800, $0x38;
	[tilespmem:$0x10EF0] =	vst v63  }
0x115: {  	s26 =	sld [smem:$0x7A0];
	_ =	sdelay $0x1  }
0x116: {  	s25 =	sadd.s32 $0x200, s30  }
0x117: {  	[hbm4b:s25+s1] =	stream.linear.scatter [tilespmem:s26], [sflag:$0x1], $0x800, $0x38;
	[tilespmem:$0x10EF0] =	vst v63  }
0x118: {  	s26 =	sld [smem:$0x7A1];
	_ =	sdelay $0x1  }
0x119: {  	s25 =	sadd.s32 $0x300, s30  }
0x11a: {  	[hbm4b:s25+s1] =	stream.linear.scatter [tilespmem:s26], [sflag:$0x1], $0x800, $0x38;
	[tilespmem:$0x10EF0] =	vst v63  }
0x11b: {  	s26 =	sld [smem:$0x7A2];
	_ =	sdelay $0x1  }
0x11c: {  	s25 =	sadd.s32 $0x400, s30  }
0x11d: {  	[hbm4b:s25+s1] =	stream.linear.scatter [tilespmem:s26], [sflag:$0x1], $0x800, $0x38;
	[tilespmem:$0x10EF0] =	vst v63  }
0x11e: {  	s26 =	sld [smem:$0x7A3];
	_ =	sdelay $0x1  }
0x11f: {  	s25 =	sadd.s32 $0x500, s30  }
0x120: {  	[hbm4b:s25+s1] =	stream.linear.scatter [tilespmem:s26], [sflag:$0x1], $0x800, $0x38;
	[tilespmem:$0x10EF0] =	vst v63  }
0x121: {  	s26 =	sld [smem:$0x7A4];
	_ =	sdelay $0x1  }
0x122: {  	s25 =	sadd.s32 $0x600, s30  }
0x123: {  	[hbm4b:s25+s1] =	stream.linear.scatter [tilespmem:s26], [sflag:$0x1], $0x800, $0x38;
	[tilespmem:$0x10EF0] =	vst v63  }
0x124: {  	s26 =	sld [smem:$0x7A5];
	_ =	sdelay $0x1  }
0x125: {  	s25 =	sadd.s32 $0x700, s30  }
0x126: {  	[hbm4b:s25+s1] =	stream.linear.scatter [tilespmem:s26], [sflag:$0x1], $0x800, $0x38;
	[tilespmem:$0x10EF0] =	vst v63  }
0x127: {  	s26 =	sld [smem:$0x7A6];
	_ =	sdelay $0x1  }
0x128: {  	s25 =	sadd.s32 $0x800, s30  }
0x129: {  	[hbm4b:s25+s1] =	stream.linear.scatter [tilespmem:s26], [sflag:$0x1], $0x800, $0x38;
	[tilespmem:$0x10EF0] =	vst v63  }
0x12a: {  	s26 =	sld [smem:$0x7A7];
	_ =	sdelay $0x1  }
0x12b: {  	s25 =	sadd.s32 $0x900, s30  }
0x12c: {  	[hbm4b:s25+s1] =	stream.linear.scatter [tilespmem:s26], [sflag:$0x1], $0x800, $0x38;
	[tilespmem:$0x10EF0] =	vst v63  }
0x12d: {  	s26 =	sld [smem:$0x7A8];
	_ =	sdelay $0x1  }
0x12e: {  	s25 =	sadd.s32 $0xA00, s30  }
0x12f: {  	[hbm4b:s25+s1] =	stream.linear.scatter [tilespmem:s26], [sflag:$0x1], $0x800, $0x38;
	[tilespmem:$0x10EF0] =	vst v63  }
0x130: {  	s26 =	sld [smem:$0x7A9];
	_ =	sdelay $0x1  }
0x131: {  	s25 =	sadd.s32 $0xB00, s30  }
0x132: {  	[hbm4b:s25+s1] =	stream.linear.scatter [tilespmem:s26], [sflag:$0x1], $0x800, $0x38;
	[tilespmem:$0x10EF0] =	vst v63  }
0x133: {  	s26 =	sld [smem:$0x7AA];
	_ =	sdelay $0x1  }
0x134: {  	s25 =	sadd.s32 $0xC00, s30  }
0x135: {  	[hbm4b:s25+s1] =	stream.linear.scatter [tilespmem:s26], [sflag:$0x1], $0x800, $0x38;
	[tilespmem:$0x10EF0] =	vst v63  }
0x136: {  	s26 =	sld [smem:$0x7AB];
	_ =	sdelay $0x1  }
0x137: {  	s25 =	sadd.s32 $0xD00, s30  }
0x138: {  	[hbm4b:s25+s1] =	stream.linear.scatter [tilespmem:s26], [sflag:$0x1], $0x800, $0x38;
	[tilespmem:$0x10EF0] =	vst v63  }
0x139: {  	s26 =	sld [smem:$0x7AC];
	_ =	sdelay $0x1  }
0x13a: {  	s25 =	sadd.s32 $0xE00, s30  }
0x13b: {  	[hbm4b:s25+s1] =	stream.linear.scatter [tilespmem:s26], [sflag:$0x1], $0x800, $0x38;
	[tilespmem:$0x10EF0] =	vst v63  }
0x13c: {  	s26 =	sld [smem:$0x7AD];
	_ =	sdelay $0x1  }
0x13d: {  	s25 =	sadd.s32 $0xF00, s30  }
0x13e: {  	[hbm4b:s25+s1] =	stream.linear.scatter [tilespmem:s26], [sflag:$0x1], $0x800, $0x38;
	[tilespmem:$0x10EF0] =	vst v63  }
0x13f: {  	s26 =	sld [smem:$0x7AE]  }
0x140: {  	[hbm4b:s31+s1] =	stream.linear.scatter [tilespmem:s15], [sflag:$0x1], $0x800, $0x38;
	[tilespmem:$0x10EF0] =	vst v63  }
0x141: {  	s25 =	sadd.s32 $0x100, s31  }
0x142: {  	[hbm4b:s25+s1] =	stream.linear.scatter [tilespmem:s26], [sflag:$0x1], $0x800, $0x38;
	[tilespmem:$0x10EF0] =	vst v63  }
0x143: {  	s26 =	sld [smem:$0x7AF];
	_ =	sdelay $0x1  }
0x144: {  	s25 =	sadd.s32 $0x200, s31  }
0x145: {  	[hbm4b:s25+s1] =	stream.linear.scatter [tilespmem:s26], [sflag:$0x1], $0x800, $0x38;
	[tilespmem:$0x10EF0] =	vst v63  }
0x146: {  	s26 =	sld [smem:$0x7B0];
	_ =	sdelay $0x1  }
0x147: {  	s25 =	sadd.s32 $0x300, s31  }
0x148: {  	[hbm4b:s25+s1] =	stream.linear.scatter [tilespmem:s26], [sflag:$0x1], $0x800, $0x38;
	[tilespmem:$0x10EF0] =	vst v63  }
0x149: {  	s26 =	sld [smem:$0x7B1];
	_ =	sdelay $0x1  }
0x14a: {  	s25 =	sadd.s32 $0x400, s31  }
0x14b: {  	[hbm4b:s25+s1] =	stream.linear.scatter [tilespmem:s26], [sflag:$0x1], $0x800, $0x38;
	[tilespmem:$0x10EF0] =	vst v63  }
0x14c: {  	s26 =	sld [smem:$0x7B2];
	_ =	sdelay $0x1  }
0x14d: {  	s25 =	sadd.s32 $0x500, s31  }
0x14e: {  	[hbm4b:s25+s1] =	stream.linear.scatter [tilespmem:s26], [sflag:$0x1], $0x800, $0x38;
	[tilespmem:$0x10EF0] =	vst v63  }
0x14f: {  	s26 =	sld [smem:$0x7B3];
	_ =	sdelay $0x1  }
0x150: {  	s25 =	sadd.s32 $0x600, s31  }
0x151: {  	[hbm4b:s25+s1] =	stream.linear.scatter [tilespmem:s26], [sflag:$0x1], $0x800, $0x38;
	[tilespmem:$0x10EF0] =	vst v63  }
0x152: {  	s26 =	sld [smem:$0x7B4];
	_ =	sdelay $0x1  }
0x153: {  	s25 =	sadd.s32 $0x700, s31  }
0x154: {  	[hbm4b:s25+s1] =	stream.linear.scatter [tilespmem:s26], [sflag:$0x1], $0x800, $0x38;
	[tilespmem:$0x10EF0] =	vst v63  }
0x155: {  	s26 =	sld [smem:$0x7B5];
	_ =	sdelay $0x1  }
0x156: {  	s25 =	sadd.s32 $0x800, s31  }
0x157: {  	[hbm4b:s25+s1] =	stream.linear.scatter [tilespmem:s26], [sflag:$0x1], $0x800, $0x38;
	[tilespmem:$0x10EF0] =	vst v63  }
0x158: {  	s26 =	sld [smem:$0x7B6];
	_ =	sdelay $0x1  }
0x159: {  	s25 =	sadd.s32 $0x900, s31  }
0x15a: {  	[hbm4b:s25+s1] =	stream.linear.scatter [tilespmem:s26], [sflag:$0x1], $0x800, $0x38;
	[tilespmem:$0x10EF0] =	vst v63  }
0x15b: {  	s26 =	sld [smem:$0x7B7];
	_ =	sdelay $0x1  }
0x15c: {  	s25 =	sadd.s32 $0xA00, s31  }
0x15d: {  	[hbm4b:s25+s1] =	stream.linear.scatter [tilespmem:s26], [sflag:$0x1], $0x800, $0x38;
	[tilespmem:$0x10EF0] =	vst v63  }
0x15e: {  	s26 =	sld [smem:$0x7B8];
	_ =	sdelay $0x1  }
0x15f: {  	s25 =	sadd.s32 $0xB00, s31  }
0x160: {  	[hbm4b:s25+s1] =	stream.linear.scatter [tilespmem:s26], [sflag:$0x1], $0x800, $0x38;
	[tilespmem:$0x10EF0] =	vst v63  }
0x161: {  	s26 =	sld [smem:$0x7B9];
	_ =	sdelay $0x1  }
0x162: {  	s25 =	sadd.s32 $0xC00, s31  }
0x163: {  	[hbm4b:s25+s1] =	stream.linear.scatter [tilespmem:s26], [sflag:$0x1], $0x800, $0x38;
	[tilespmem:$0x10EF0] =	vst v63  }
0x164: {  	s26 =	sld [smem:$0x7BA];
	_ =	sdelay $0x1  }
0x165: {  	s25 =	sadd.s32 $0xD00, s31  }
0x166: {  	[hbm4b:s25+s1] =	stream.linear.scatter [tilespmem:s26], [sflag:$0x1], $0x800, $0x38;
	[tilespmem:$0x10EF0] =	vst v63  }
0x167: {  	s26 =	sld [smem:$0x7BB];
	_ =	sdelay $0x1  }
0x168: {  	s25 =	sadd.s32 $0xE00, s31  }
0x169: {  	[hbm4b:s25+s1] =	stream.linear.scatter [tilespmem:s26], [sflag:$0x1], $0x800, $0x38;
	[tilespmem:$0x10EF0] =	vst v63  }
0x16a: {  	s26 =	sld [smem:$0x7BC];
	_ =	sdelay $0x1  }
0x16b: {  	s25 =	sadd.s32 $0xF00, s31  }
0x16c: {  	[hbm4b:s25+s1] =	stream.linear.scatter [tilespmem:s26], [sflag:$0x1], $0x800, $0x38;
	[tilespmem:$0x10EF0] =	vst v63  }
0x16d: {  	s26 =	sld [smem:$0x7BD]  }
0x16e: {  	[hbm4b:s0+s1] =	stream.linear.scatter [tilespmem:s16], [sflag:$0x1], $0x800, $0x38;
	[tilespmem:$0x10EF0] =	vst v63  }
0x16f: {  	s25 =	sadd.s32 $0x100, s0  }
0x170: {  	[hbm4b:s25+s1] =	stream.linear.scatter [tilespmem:s26], [sflag:$0x1], $0x800, $0x38;
	[tilespmem:$0x10EF0] =	vst v63  }
0x171: {  	s26 =	sld [smem:$0x7BE];
	_ =	sdelay $0x1  }
0x172: {  	s25 =	sadd.s32 $0x200, s0  }
0x173: {  	[hbm4b:s25+s1] =	stream.linear.scatter [tilespmem:s26], [sflag:$0x1], $0x800, $0x38;
	[tilespmem:$0x10EF0] =	vst v63  }
0x174: {  	s26 =	sld [smem:$0x7BF];
	_ =	sdelay $0x1  }
0x175: {  	s25 =	sadd.s32 $0x300, s0  }
0x176: {  	[hbm4b:s25+s1] =	stream.linear.scatter [tilespmem:s26], [sflag:$0x1], $0x800, $0x38;
	[tilespmem:$0x10EF0] =	vst v63  }
0x177: {  	s26 =	sld [smem:$0x7C0];
	_ =	sdelay $0x1  }
0x178: {  	s25 =	sadd.s32 $0x400, s0  }
0x179: {  	[hbm4b:s25+s1] =	stream.linear.scatter [tilespmem:s26], [sflag:$0x1], $0x800, $0x38;
	[tilespmem:$0x10EF0] =	vst v63  }
0x17a: {  	s26 =	sld [smem:$0x7C1];
	_ =	sdelay $0x1  }
0x17b: {  	s25 =	sadd.s32 $0x500, s0  }
0x17c: {  	[hbm4b:s25+s1] =	stream.linear.scatter [tilespmem:s26], [sflag:$0x1], $0x800, $0x38;
	[tilespmem:$0x10EF0] =	vst v63  }
0x17d: {  	s26 =	sld [smem:$0x7C2];
	_ =	sdelay $0x1  }
0x17e: {  	s25 =	sadd.s32 $0x600, s0  }
0x17f: {  	[hbm4b:s25+s1] =	stream.linear.scatter [tilespmem:s26], [sflag:$0x1], $0x800, $0x38;
	[tilespmem:$0x10EF0] =	vst v63  }
0x180: {  	s26 =	sld [smem:$0x7C3];
	_ =	sdelay $0x1  }
0x181: {  	s25 =	sadd.s32 $0x700, s0  }
0x182: {  	[hbm4b:s25+s1] =	stream.linear.scatter [tilespmem:s26], [sflag:$0x1], $0x800, $0x38;
	[tilespmem:$0x10EF0] =	vst v63  }
0x183: {  	s26 =	sld [smem:$0x7C4];
	_ =	sdelay $0x1  }
0x184: {  	s25 =	sadd.s32 $0x800, s0  }
0x185: {  	[hbm4b:s25+s1] =	stream.linear.scatter [tilespmem:s26], [sflag:$0x1], $0x800, $0x38;
	[tilespmem:$0x10EF0] =	vst v63  }
0x186: {  	s26 =	sld [smem:$0x7C5];
	_ =	sdelay $0x1  }
0x187: {  	s25 =	sadd.s32 $0x900, s0  }
0x188: {  	[hbm4b:s25+s1] =	stream.linear.scatter [tilespmem:s26], [sflag:$0x1], $0x800, $0x38;
	[tilespmem:$0x10EF0] =	vst v63  }
0x189: {  	s26 =	sld [smem:$0x7C6];
	_ =	sdelay $0x1  }
0x18a: {  	s25 =	sadd.s32 $0xA00, s0  }
0x18b: {  	[hbm4b:s25+s1] =	stream.linear.scatter [tilespmem:s26], [sflag:$0x1], $0x800, $0x38;
	[tilespmem:$0x10EF0] =	vst v63  }
0x18c: {  	s26 =	sld [smem:$0x7C7];
	_ =	sdelay $0x1  }
0x18d: {  	s25 =	sadd.s32 $0xB00, s0  }
0x18e: {  	[hbm4b:s25+s1] =	stream.linear.scatter [tilespmem:s26], [sflag:$0x1], $0x800, $0x38;
	[tilespmem:$0x10EF0] =	vst v63  }
0x18f: {  	s26 =	sld [smem:$0x7C8];
	_ =	sdelay $0x1  }
0x190: {  	s25 =	sadd.s32 $0xC00, s0  }
0x191: {  	[hbm4b:s25+s1] =	stream.linear.scatter [tilespmem:s26], [sflag:$0x1], $0x800, $0x38;
	[tilespmem:$0x10EF0] =	vst v63  }
0x192: {  	s26 =	sld [smem:$0x7C9];
	_ =	sdelay $0x1  }
0x193: {  	s25 =	sadd.s32 $0xD00, s0  }
0x194: {  	[hbm4b:s25+s1] =	stream.linear.scatter [tilespmem:s26], [sflag:$0x1], $0x800, $0x38;
	[tilespmem:$0x10EF0] =	vst v63  }
0x195: {  	s26 =	sld [smem:$0x7CA];
	_ =	sdelay $0x1  }
0x196: {  	s25 =	sadd.s32 $0xE00, s0  }
0x197: {  	[hbm4b:s25+s1] =	stream.linear.scatter [tilespmem:s26], [sflag:$0x1], $0x800, $0x38;
	[tilespmem:$0x10EF0] =	vst v63  }
0x198: {  	s26 =	sld [smem:$0x7CB];
	_ =	sdelay $0x1  }
0x199: {  	s25 =	sadd.s32 $0xF00, s0  }
0x19a: {  	[hbm4b:s25+s1] =	stream.linear.scatter [tilespmem:s26], [sflag:$0x1], $0x800, $0x38;
	[tilespmem:$0x10EF0] =	vst v63  }
0x19b: {  	s26 =	sld [smem:$0x7CC]  }
0x19c: {  	[hbm4b:s2+s1] =	stream.linear.scatter [tilespmem:s17], [sflag:$0x1], $0x800, $0x38;
	[tilespmem:$0x10EF0] =	vst v63  }
0x19d: {  	s25 =	sadd.s32 $0x100, s2  }
0x19e: {  	[hbm4b:s25+s1] =	stream.linear.scatter [tilespmem:s26], [sflag:$0x1], $0x800, $0x38;
	[tilespmem:$0x10EF0] =	vst v63  }
0x19f: {  	s26 =	sld [smem:$0x7CD];
	_ =	sdelay $0x1  }
0x1a0: {  	s25 =	sadd.s32 $0x200, s2  }
0x1a1: {  	[hbm4b:s25+s1] =	stream.linear.scatter [tilespmem:s26], [sflag:$0x1], $0x800, $0x38;
	[tilespmem:$0x10EF0] =	vst v63  }
0x1a2: {  	s26 =	sld [smem:$0x7CE];
	_ =	sdelay $0x1  }
0x1a3: {  	s25 =	sadd.s32 $0x300, s2  }
0x1a4: {  	[hbm4b:s25+s1] =	stream.linear.scatter [tilespmem:s26], [sflag:$0x1], $0x800, $0x38;
	[tilespmem:$0x10EF0] =	vst v63  }
0x1a5: {  	s26 =	sld [smem:$0x7CF];
	_ =	sdelay $0x1  }
0x1a6: {  	s25 =	sadd.s32 $0x400, s2  }
0x1a7: {  	[hbm4b:s25+s1] =	stream.linear.scatter [tilespmem:s26], [sflag:$0x1], $0x800, $0x38;
	[tilespmem:$0x10EF0] =	vst v63  }
0x1a8: {  	s26 =	sld [smem:$0x7D0];
	_ =	sdelay $0x1  }
0x1a9: {  	s25 =	sadd.s32 $0x500, s2  }
0x1aa: {  	[hbm4b:s25+s1] =	stream.linear.scatter [tilespmem:s26], [sflag:$0x1], $0x800, $0x38;
	[tilespmem:$0x10EF0] =	vst v63  }
0x1ab: {  	s26 =	sld [smem:$0x7D1];
	_ =	sdelay $0x1  }
0x1ac: {  	s25 =	sadd.s32 $0x600, s2  }
0x1ad: {  	[hbm4b:s25+s1] =	stream.linear.scatter [tilespmem:s26], [sflag:$0x1], $0x800, $0x38;
	[tilespmem:$0x10EF0] =	vst v63  }
0x1ae: {  	s26 =	sld [smem:$0x7D2];
	_ =	sdelay $0x1  }
0x1af: {  	s25 =	sadd.s32 $0x700, s2  }
0x1b0: {  	[hbm4b:s25+s1] =	stream.linear.scatter [tilespmem:s26], [sflag:$0x1], $0x800, $0x38;
	[tilespmem:$0x10EF0] =	vst v63  }
0x1b1: {  	s26 =	sld [smem:$0x7D3];
	_ =	sdelay $0x1  }
0x1b2: {  	s25 =	sadd.s32 $0x800, s2  }
0x1b3: {  	[hbm4b:s25+s1] =	stream.linear.scatter [tilespmem:s26], [sflag:$0x1], $0x800, $0x38;
	[tilespmem:$0x10EF0] =	vst v63  }
0x1b4: {  	s26 =	sld [smem:$0x7D4];
	_ =	sdelay $0x1  }
0x1b5: {  	s25 =	sadd.s32 $0x900, s2  }
0x1b6: {  	[hbm4b:s25+s1] =	stream.linear.scatter [tilespmem:s26], [sflag:$0x1], $0x800, $0x38;
	[tilespmem:$0x10EF0] =	vst v63  }
0x1b7: {  	s26 =	sld [smem:$0x7D5];
	_ =	sdelay $0x1  }
0x1b8: {  	s25 =	sadd.s32 $0xA00, s2  }
0x1b9: {  	[hbm4b:s25+s1] =	stream.linear.scatter [tilespmem:s26], [sflag:$0x1], $0x800, $0x38;
	[tilespmem:$0x10EF0] =	vst v63  }
0x1ba: {  	s26 =	sld [smem:$0x7D6];
	_ =	sdelay $0x1  }
0x1bb: {  	s25 =	sadd.s32 $0xB00, s2  }
0x1bc: {  	[hbm4b:s25+s1] =	stream.linear.scatter [tilespmem:s26], [sflag:$0x1], $0x800, $0x38;
	[tilespmem:$0x10EF0] =	vst v63  }
0x1bd: {  	s26 =	sld [smem:$0x7D7];
	_ =	sdelay $0x1  }
0x1be: {  	s25 =	sadd.s32 $0xC00, s2  }
0x1bf: {  	[hbm4b:s25+s1] =	stream.linear.scatter [tilespmem:s26], [sflag:$0x1], $0x800, $0x38;
	[tilespmem:$0x10EF0] =	vst v63  }
0x1c0: {  	s26 =	sld [smem:$0x7D8];
	_ =	sdelay $0x1  }
0x1c1: {  	s25 =	sadd.s32 $0xD00, s2  }
0x1c2: {  	[hbm4b:s25+s1] =	stream.linear.scatter [tilespmem:s26], [sflag:$0x1], $0x800, $0x38;
	[tilespmem:$0x10EF0] =	vst v63  }
0x1c3: {  	s26 =	sld [smem:$0x7D9];
	_ =	sdelay $0x1  }
0x1c4: {  	s25 =	sadd.s32 $0xE00, s2  }
0x1c5: {  	[hbm4b:s25+s1] =	stream.linear.scatter [tilespmem:s26], [sflag:$0x1], $0x800, $0x38;
	[tilespmem:$0x10EF0] =	vst v63  }
0x1c6: {  	s26 =	sld [smem:$0x7DA];
	_ =	sdelay $0x1  }
0x1c7: {  	s25 =	sadd.s32 $0xF00, s2  }
0x1c8: {  	[hbm4b:s25+s1] =	stream.linear.scatter [tilespmem:s26], [sflag:$0x1], $0x800, $0x38;
	[tilespmem:$0x10EF0] =	vst v63  }
0x1c9: {  	s26 =	sld [smem:$0x7DB]  }
0x1ca: {  	[hbm4b:s3+s1] =	stream.linear.scatter [tilespmem:s18], [sflag:$0x1], $0x800, $0x38;
	[tilespmem:$0x10EF0] =	vst v63  }
0x1cb: {  	s25 =	sadd.s32 $0x100, s3  }
0x1cc: {  	[hbm4b:s25+s1] =	stream.linear.scatter [tilespmem:s26], [sflag:$0x1], $0x800, $0x38;
	[tilespmem:$0x10EF0] =	vst v63  }
0x1cd: {  	s26 =	sld [smem:$0x7DC];
	_ =	sdelay $0x1  }
0x1ce: {  	s25 =	sadd.s32 $0x200, s3  }
0x1cf: {  	[hbm4b:s25+s1] =	stream.linear.scatter [tilespmem:s26], [sflag:$0x1], $0x800, $0x38;
	[tilespmem:$0x10EF0] =	vst v63  }
0x1d0: {  	s26 =	sld [smem:$0x7DD];
	_ =	sdelay $0x1  }
0x1d1: {  	s25 =	sadd.s32 $0x300, s3  }
0x1d2: {  	[hbm4b:s25+s1] =	stream.linear.scatter [tilespmem:s26], [sflag:$0x1], $0x800, $0x38;
	[tilespmem:$0x10EF0] =	vst v63  }
0x1d3: {  	s26 =	sld [smem:$0x7DE];
	_ =	sdelay $0x1  }
0x1d4: {  	s25 =	sadd.s32 $0x400, s3  }
0x1d5: {  	[hbm4b:s25+s1] =	stream.linear.scatter [tilespmem:s26], [sflag:$0x1], $0x800, $0x38;
	[tilespmem:$0x10EF0] =	vst v63  }
0x1d6: {  	s26 =	sld [smem:$0x7DF];
	_ =	sdelay $0x1  }
0x1d7: {  	s25 =	sadd.s32 $0x500, s3  }
0x1d8: {  	[hbm4b:s25+s1] =	stream.linear.scatter [tilespmem:s26], [sflag:$0x1], $0x800, $0x38;
	[tilespmem:$0x10EF0] =	vst v63  }
0x1d9: {  	s26 =	sld [smem:$0x7E0];
	_ =	sdelay $0x1  }
0x1da: {  	s25 =	sadd.s32 $0x600, s3  }
0x1db: {  	[hbm4b:s25+s1] =	stream.linear.scatter [tilespmem:s26], [sflag:$0x1], $0x800, $0x38;
	[tilespmem:$0x10EF0] =	vst v63  }
0x1dc: {  	s26 =	sld [smem:$0x7E1];
	_ =	sdelay $0x1  }
0x1dd: {  	s25 =	sadd.s32 $0x700, s3  }
0x1de: {  	[hbm4b:s25+s1] =	stream.linear.scatter [tilespmem:s26], [sflag:$0x1], $0x800, $0x38;
	[tilespmem:$0x10EF0] =	vst v63  }
0x1df: {  	s26 =	sld [smem:$0x7E2];
	_ =	sdelay $0x1  }
0x1e0: {  	s25 =	sadd.s32 $0x800, s3  }
0x1e1: {  	[hbm4b:s25+s1] =	stream.linear.scatter [tilespmem:s26], [sflag:$0x1], $0x800, $0x38;
	[tilespmem:$0x10EF0] =	vst v63  }
0x1e2: {  	s26 =	sld [smem:$0x7E3];
	_ =	sdelay $0x1  }
0x1e3: {  	s25 =	sadd.s32 $0x900, s3  }
0x1e4: {  	[hbm4b:s25+s1] =	stream.linear.scatter [tilespmem:s26], [sflag:$0x1], $0x800, $0x38;
	[tilespmem:$0x10EF0] =	vst v63  }
0x1e5: {  	s26 =	sld [smem:$0x7E4];
	_ =	sdelay $0x1  }
0x1e6: {  	s25 =	sadd.s32 $0xA00, s3  }
0x1e7: {  	[hbm4b:s25+s1] =	stream.linear.scatter [tilespmem:s26], [sflag:$0x1], $0x800, $0x38;
	[tilespmem:$0x10EF0] =	vst v63  }
0x1e8: {  	s26 =	sld [smem:$0x7E5];
	_ =	sdelay $0x1  }
0x1e9: {  	s25 =	sadd.s32 $0xB00, s3  }
0x1ea: {  	[hbm4b:s25+s1] =	stream.linear.scatter [tilespmem:s26], [sflag:$0x1], $0x800, $0x38;
	[tilespmem:$0x10EF0] =	vst v63  }
0x1eb: {  	s26 =	sld [smem:$0x7E6];
	_ =	sdelay $0x1  }
0x1ec: {  	s25 =	sadd.s32 $0xC00, s3  }
0x1ed: {  	[hbm4b:s25+s1] =	stream.linear.scatter [tilespmem:s26], [sflag:$0x1], $0x800, $0x38;
	[tilespmem:$0x10EF0] =	vst v63  }
0x1ee: {  	s26 =	sld [smem:$0x7E7];
	_ =	sdelay $0x1  }
0x1ef: {  	s25 =	sadd.s32 $0xD00, s3  }
0x1f0: {  	[hbm4b:s25+s1] =	stream.linear.scatter [tilespmem:s26], [sflag:$0x1], $0x800, $0x38;
	[tilespmem:$0x10EF0] =	vst v63  }
0x1f1: {  	s26 =	sld [smem:$0x7E8];
	_ =	sdelay $0x1  }
0x1f2: {  	s25 =	sadd.s32 $0xE00, s3  }
0x1f3: {  	[hbm4b:s25+s1] =	stream.linear.scatter [tilespmem:s26], [sflag:$0x1], $0x800, $0x38;
	[tilespmem:$0x10EF0] =	vst v63  }
0x1f4: {  	s26 =	sld [smem:$0x7E9];
	_ =	sdelay $0x1  }
0x1f5: {  	s25 =	sadd.s32 $0xF00, s3  }
0x1f6: {  	[hbm4b:s25+s1] =	stream.linear.scatter [tilespmem:s26], [sflag:$0x1], $0x800, $0x38;
	[tilespmem:$0x10EF0] =	vst v63  }
0x1f7: {  	s26 =	sld [smem:$0x7EA]  }
0x1f8: {  	[hbm4b:s4+s1] =	stream.linear.scatter [tilespmem:s20], [sflag:$0x1], $0x800, $0x38;
	[tilespmem:$0x10EF0] =	vst v63  }
0x1f9: {  	s25 =	sadd.s32 $0x100, s4  }
0x1fa: {  	[hbm4b:s25+s1] =	stream.linear.scatter [tilespmem:s26], [sflag:$0x1], $0x800, $0x38;
	[tilespmem:$0x10EF0] =	vst v63  }
0x1fb: {  	s26 =	sld [smem:$0x7EB];
	_ =	sdelay $0x1  }
0x1fc: {  	s25 =	sadd.s32 $0x200, s4  }
0x1fd: {  	[hbm4b:s25+s1] =	stream.linear.scatter [tilespmem:s26], [sflag:$0x1], $0x800, $0x38;
	[tilespmem:$0x10EF0] =	vst v63  }
0x1fe: {  	s26 =	sld [smem:$0x7EC];
	_ =	sdelay $0x1  }
0x1ff: {  	s25 =	sadd.s32 $0x300, s4  }
0x200: {  	[hbm4b:s25+s1] =	stream.linear.scatter [tilespmem:s26], [sflag:$0x1], $0x800, $0x38;
	[tilespmem:$0x10EF0] =	vst v63  }
0x201: {  	s26 =	sld [smem:$0x7ED];
	_ =	sdelay $0x1  }
0x202: {  	s25 =	sadd.s32 $0x400, s4  }
0x203: {  	[hbm4b:s25+s1] =	stream.linear.scatter [tilespmem:s26], [sflag:$0x1], $0x800, $0x38;
	[tilespmem:$0x10EF0] =	vst v63  }
0x204: {  	s26 =	sld [smem:$0x7EE];
	_ =	sdelay $0x1  }
0x205: {  	s25 =	sadd.s32 $0x500, s4  }
0x206: {  	[hbm4b:s25+s1] =	stream.linear.scatter [tilespmem:s26], [sflag:$0x1], $0x800, $0x38;
	[tilespmem:$0x10EF0] =	vst v63  }
0x207: {  	s26 =	sld [smem:$0x7EF];
	_ =	sdelay $0x1  }
0x208: {  	s25 =	sadd.s32 $0x600, s4  }
0x209: {  	[hbm4b:s25+s1] =	stream.linear.scatter [tilespmem:s26], [sflag:$0x1], $0x800, $0x38;
	[tilespmem:$0x10EF0] =	vst v63  }
0x20a: {  	s26 =	sld [smem:$0x7F0];
	_ =	sdelay $0x1  }
0x20b: {  	s25 =	sadd.s32 $0x700, s4  }
0x20c: {  	[hbm4b:s25+s1] =	stream.linear.scatter [tilespmem:s26], [sflag:$0x1], $0x800, $0x38;
	[tilespmem:$0x10EF0] =	vst v63  }
0x20d: {  	s26 =	sld [smem:$0x7F1];
	_ =	sdelay $0x1  }
0x20e: {  	s25 =	sadd.s32 $0x800, s4  }
0x20f: {  	[hbm4b:s25+s1] =	stream.linear.scatter [tilespmem:s26], [sflag:$0x1], $0x800, $0x38;
	[tilespmem:$0x10EF0] =	vst v63  }
0x210: {  	s26 =	sld [smem:$0x7F2];
	_ =	sdelay $0x1  }
0x211: {  	s25 =	sadd.s32 $0x900, s4  }
0x212: {  	[hbm4b:s25+s1] =	stream.linear.scatter [tilespmem:s26], [sflag:$0x1], $0x800, $0x38;
	[tilespmem:$0x10EF0] =	vst v63  }
0x213: {  	s26 =	sld [smem:$0x7F3];
	_ =	sdelay $0x1  }
0x214: {  	s25 =	sadd.s32 $0xA00, s4  }
0x215: {  	[hbm4b:s25+s1] =	stream.linear.scatter [tilespmem:s26], [sflag:$0x1], $0x800, $0x38;
	[tilespmem:$0x10EF0] =	vst v63  }
0x216: {  	s26 =	sld [smem:$0x7F4];
	_ =	sdelay $0x1  }
0x217: {  	s25 =	sadd.s32 $0xB00, s4  }
0x218: {  	[hbm4b:s25+s1] =	stream.linear.scatter [tilespmem:s26], [sflag:$0x1], $0x800, $0x38;
	[tilespmem:$0x10EF0] =	vst v63  }
0x219: {  	s26 =	sld [smem:$0x7F5];
	_ =	sdelay $0x1  }
0x21a: {  	s25 =	sadd.s32 $0xC00, s4  }
0x21b: {  	[hbm4b:s25+s1] =	stream.linear.scatter [tilespmem:s26], [sflag:$0x1], $0x800, $0x38;
	[tilespmem:$0x10EF0] =	vst v63  }
0x21c: {  	s26 =	sld [smem:$0x7F6];
	_ =	sdelay $0x1  }
0x21d: {  	s25 =	sadd.s32 $0xD00, s4  }
0x21e: {  	[hbm4b:s25+s1] =	stream.linear.scatter [tilespmem:s26], [sflag:$0x1], $0x800, $0x38;
	[tilespmem:$0x10EF0] =	vst v63  }
0x21f: {  	s26 =	sld [smem:$0x7F7];
	_ =	sdelay $0x1  }
0x220: {  	s25 =	sadd.s32 $0xE00, s4  }
0x221: {  	[hbm4b:s25+s1] =	stream.linear.scatter [tilespmem:s26], [sflag:$0x1], $0x800, $0x38;
	[tilespmem:$0x10EF0] =	vst v63  }
0x222: {  	s26 =	sld [smem:$0x7F8];
	_ =	sdelay $0x1  }
0x223: {  	s25 =	sadd.s32 $0xF00, s4  }
0x224: {  	[hbm4b:s25+s1] =	stream.linear.scatter [tilespmem:s26], [sflag:$0x1], $0x800, $0x38;
	[tilespmem:$0x10EF0] =	vst v63  }
0x225: {  	s26 =	sld [smem:$0x7F9]  }
0x226: {  	[hbm4b:s5+s1] =	stream.linear.scatter [tilespmem:s22], [sflag:$0x1], $0x800, $0x38;
	[tilespmem:$0x10EF0] =	vst v63  }
0x227: {  	s25 =	sadd.s32 $0x100, s5  }
0x228: {  	[hbm4b:s25+s1] =	stream.linear.scatter [tilespmem:s26], [sflag:$0x1], $0x800, $0x38;
	[tilespmem:$0x10EF0] =	vst v63  }
0x229: {  	s26 =	sld [smem:$0x7FA];
	_ =	sdelay $0x1  }
0x22a: {  	s25 =	sadd.s32 $0x200, s5  }
0x22b: {  	[hbm4b:s25+s1] =	stream.linear.scatter [tilespmem:s26], [sflag:$0x1], $0x800, $0x38;
	[tilespmem:$0x10EF0] =	vst v63  }
0x22c: {  	s26 =	sld [smem:$0x7FB];
	_ =	sdelay $0x1  }
0x22d: {  	s25 =	sadd.s32 $0x300, s5  }
0x22e: {  	[hbm4b:s25+s1] =	stream.linear.scatter [tilespmem:s26], [sflag:$0x1], $0x800, $0x38;
	[tilespmem:$0x10EF0] =	vst v63  }
0x22f: {  	s26 =	sld [smem:$0x7FC];
	_ =	sdelay $0x1  }
0x230: {  	s25 =	sadd.s32 $0x400, s5  }
0x231: {  	[hbm4b:s25+s1] =	stream.linear.scatter [tilespmem:s26], [sflag:$0x1], $0x800, $0x38;
	[tilespmem:$0x10EF0] =	vst v63  }
0x232: {  	s26 =	sld [smem:$0x7FD];
	_ =	sdelay $0x1  }
0x233: {  	s25 =	sadd.s32 $0x500, s5  }
0x234: {  	[hbm4b:s25+s1] =	stream.linear.scatter [tilespmem:s26], [sflag:$0x1], $0x800, $0x38;
	[tilespmem:$0x10EF0] =	vst v63  }
0x235: {  	s26 =	sadd.s32 $0x600, s5  }
0x236: {  	[hbm4b:s26+s1] =	stream.linear.scatter [tilespmem:s28], [sflag:$0x1], $0x800, $0x38;
	[tilespmem:$0x10EF0] =	vst v63  }
0x237: {  	s26 =	sadd.s32 $0x700, s5  }
0x238: {  	[hbm4b:s26+s1] =	stream.linear.scatter [tilespmem:s29], [sflag:$0x1], $0x800, $0x38;
	[tilespmem:$0x10EF0] =	vst v63  }
0x239: {  	s26 =	sadd.s32 $0x800, s5  }
0x23a: {  	[hbm4b:s26+s1] =	stream.linear.scatter [tilespmem:s6], [sflag:$0x1], $0x800, $0x38;
	[tilespmem:$0x10EF0] =	vst v63  }
0x23b: {  	s26 =	sadd.s32 $0x900, s5  }
0x23c: {  	[hbm4b:s26+s1] =	stream.linear.scatter [tilespmem:s7], [sflag:$0x1], $0x800, $0x38;
	[tilespmem:$0x10EF0] =	vst v63  }
0x23d: {  	s26 =	sadd.s32 $0xA00, s5  }
0x23e: {  	[hbm4b:s26+s1] =	stream.linear.scatter [tilespmem:s8], [sflag:$0x1], $0x800, $0x38;
	[tilespmem:$0x10EF0] =	vst v63  }
0x23f: {  	s26 =	sadd.s32 $0xB00, s5  }
0x240: {  	[hbm4b:s26+s1] =	stream.linear.scatter [tilespmem:s9], [sflag:$0x1], $0x800, $0x38;
	[tilespmem:$0x10EF0] =	vst v63  }
0x241: {  	s26 =	sadd.s32 $0xC00, s5  }
0x242: {  	[hbm4b:s26+s1] =	stream.linear.scatter [tilespmem:s10], [sflag:$0x1], $0x800, $0x38;
	[tilespmem:$0x10EF0] =	vst v63  }
0x243: {  	s26 =	sadd.s32 $0xD00, s5  }
0x244: {  	[hbm4b:s26+s1] =	stream.linear.scatter [tilespmem:s11], [sflag:$0x1], $0x800, $0x38;
	[tilespmem:$0x10EF0] =	vst v63  }
0x245: {  	s26 =	sadd.s32 $0xE00, s5  }
0x246: {  	[hbm4b:s26+s1] =	stream.linear.scatter [tilespmem:s19], [sflag:$0x1], $0x800, $0x38;
	[tilespmem:$0x10EF0] =	vst v63  }
0x247: {  	s26 =	sadd.s32 $0xF00, s5  }
0x248: {  	[hbm4b:s26+s1] =	stream.linear.scatter [tilespmem:s21], [sflag:$0x1], $0x800, $0x38;
	[tilespmem:$0x10EF0] =	vst v63  }
0x249: {  	_ =	swait.ge [sflag:s23], $0x8000  }
0x24a: {  	[sflag:s23] =	ssyncset.done $0x0  }
0x24b: {  	[sflag:s23] =	ssyncadd.s32 $0xFFFF8000  }
0x24c: {  	_ =	swait.ge [sflag:s23], $0x8000  }
0x24d: {  	[sflag:s23] =	ssyncset.done $0x0  }
0x24e: {  	[sflag:s23] =	ssyncadd.s32 $0xFFFF8000  }
0x24f: {  	_ =	swait.ge [sflag:s23], $0x8000  }
0x250: {  	[sflag:s23] =	ssyncset.done $0x0  }
0x251: {  	[sflag:s23] =	ssyncadd.s32 $0xFFFF8000  }
0x252: {  	_ =	swait.ge [sflag:s23], $0x8000  }
0x253: {  	[sflag:s23] =	ssyncset.done $0x0  }
0x254: {  	[sflag:s23] =	ssyncadd.s32 $0xFFFF8000  }
0x255: {  	_ =	swait.ge [sflag:s23], $0x8000  }
0x256: {  	[sflag:s23] =	ssyncset.done $0x0  }
0x257: {  	[sflag:s23] =	ssyncadd.s32 $0xFFFF8000  }
0x258: {  	_ =	swait.ge [sflag:s23], $0x8000  }
0x259: {  	[sflag:s23] =	ssyncset.done $0x0  }
0x25a: {  	[sflag:s23] =	ssyncadd.s32 $0xFFFF8000  }
0x25b: {  	_ =	swait.ge [sflag:s23], $0x8000  }
0x25c: {  	[sflag:s23] =	ssyncset.done $0x0  }
0x25d: {  	[sflag:s23] =	ssyncadd.s32 $0xFFFF8000  }
0x25e: {  	_ =	swait.ge [sflag:s23], $0x8000  }
0x25f: {  	s24 =	sadd.s32 $0x1, s24;
	s26 =	rddreg [dreg:$0x13]  }
0x260: {  	p0 =	sne.s32 s24, s26  }
.Ltmp2:
0x261: {  	_ = 	snop;
	(pc) =	sbr.rel @p0 .LBB2_1-.Ltmp2, $3  }
0x262: {  	_ =	sdelay $0x1  }
0x263: {  	[sflag:s23] =	ssyncset.done $0x0  }
0x264: {  	[sflag:s23] =	ssyncadd.s32 $0xFFFF8000  }
0x265: {  	_ =	sfence.sel $0x180000  }
0x266: {  	[bflag:$0x0] =	sbarrier.arrive $0xFFFF  }
0x267: {  	_ =	strace $0x90000047  }
0x268: {  	s0 =	stileid.u32;
	[bflag:$0x2] =	sbarrier.arrive $0xFFFF  }
0x269: {  	p0 =	sne.s32 s0, $0x0;
	s0 =	rddreg [dreg:$0x2]  }
0x26a: {  	s0 =	sadd.s32 @!p0 $0x100000, s0  }
0x26b: {  	[sflag:s0] =	ssyncadd.tile.s32 @!p0 $0x1;
	_ =	shalt  }
.Lfunc_end2:
_tile_overlayer_lowered:
.L_overlay_start_2:
0x26c: {  	(tag) =	ssettag $0x2  }
0x26d: {  	s0 =	rddreg [dreg:$0x0];
	s2 =	stileid.u32  }
0x26e: {  	s1 =	rddreg [dreg:$0x1];
	p0 =	sne.s32 s2, $0x0  }
0x26f: {  	s3 =	rddreg [dreg:$0x2];
	[bflag:$0x3] =	sbarrier.arrive $0xFFFF;
	s2 =	simm.s32 @!p0 $0x1C02  }
0x270: {  	[timem:s3], [sflag:s2] =	dma.local @!p0 [hbm:s0], s1  }
0x271: {  	s0 =	simm.s32 @!p0 $0x2  }
0x272: {  	_ =	swait.ge @!p0 [sflag:s0], s1  }
0x273: {  	s1 =	ssub.s32 @!p0 $0x0, s1;
	[sflag:s0] =	ssyncset.done @!p0 $0x0  }
0x274: {  	[sflag:s0] =	ssyncadd.s32 @!p0 s1  }
0x275: {  	[bflag:$0x3] =	sbarrier.arrive $0xFFFF  }
0x276: {  	_ =	shalt  }

</sc_bundles>
